<compile_context>
chip_gen: v7x
topology: tpu7x:2x2x1
jax: 0.10.2.dev20260603
libtpu: 0.0.44.dev20260713+nightly
codegen_flags: <defaults>
</compile_context>

<pallas_src>
import functools

import jax
import jax.numpy as jnp
from jax import lax
from jax.experimental import pallas as pl
from jax.experimental.pallas import tpu as pltpu
from jax.experimental.pallas import tpu_sc as plsc



def _make_gather3(V, N):
    info = plsc.get_sparse_core_info()
    NC, NS = info.num_cores, info.num_subcores
    NW = NC * NS
    per_w = N // NW
    CH = min(128, per_w)
    n_ch = per_w // CH
    mesh = plsc.VectorSubcoreMesh(core_axis_name="c", subcore_axis_name="s")

    @functools.partial(
        pl.kernel,
        mesh=mesh,
        compiler_params=pltpu.CompilerParams(use_tc_tiling_on_sc=False),
        out_type=[jax.ShapeDtypeStruct((N, 128), jnp.float32)] * 3,
        scratch_types=[
            pltpu.VMEM((n_ch, CH), jnp.int32),
            pltpu.VMEM((per_w, 128), jnp.float32),
            pltpu.VMEM((per_w, 128), jnp.float32),
            pltpu.VMEM((per_w, 128), jnp.float32),
            pltpu.SemaphoreType.DMA,
            pltpu.SemaphoreType.DMA,
            pltpu.SemaphoreType.DMA,
        ],
    )
    def gather(l0, l1, l2, idx_hbm, o0, o1, o2, idx_v, b0, b1, b2, s0, s1, s2):
        wid = lax.axis_index("s") * NC + lax.axis_index("c")
        base = wid * per_w
        for ch in range(n_ch):
            pltpu.sync_copy(idx_hbm.at[pl.ds(base + ch * CH, CH)], idx_v.at[ch])
        waits = []
        for ch in range(n_ch):
            sl = pl.ds(ch * CH, CH)
            waits.append(pltpu.async_copy(l0.at[idx_v.at[ch]], b0.at[sl], s0))
            waits.append(pltpu.async_copy(l1.at[idx_v.at[ch]], b1.at[sl], s1))
            waits.append(pltpu.async_copy(l2.at[idx_v.at[ch]], b2.at[sl], s2))
        for c in waits:
            c.wait()
        pltpu.sync_copy(b0, o0.at[pl.ds(base, per_w)])
        pltpu.sync_copy(b1, o1.at[pl.ds(base, per_w)])
        pltpu.sync_copy(b2, o2.at[pl.ds(base, per_w)])

    return gather



def _detile_body(et_ref, o0_ref, o1_ref, o2_ref):
    t = et_ref[...]
    o0_ref[...] = jnp.transpose(t[0:128, :])
    o1_ref[...] = jnp.transpose(t[128:256, :])
    o2_ref[...] = jnp.transpose(t[172:300, :])


def _detile(embT, row_block=4096):
    D, V = embT.shape
    grid = (pl.cdiv(V, row_block),)
    return pl.pallas_call(
        _detile_body,
        grid=grid,
        in_specs=[pl.BlockSpec((D, row_block), lambda i: (0, i))],
        out_specs=[pl.BlockSpec((row_block, 128), lambda i: (i, 0))] * 3,
        out_shape=[jax.ShapeDtypeStruct((V, 128), jnp.float32)] * 3,
    )(embT)



def _proj_body(e0_ref, e1_ref, e2_ref, w0_ref, w1_ref, w2_ref, b_ref, o_ref):
    bf = jnp.bfloat16
    acc = jnp.dot(e0_ref[...].astype(bf), w0_ref[...],
                  preferred_element_type=jnp.float32)
    acc += jnp.dot(e1_ref[...].astype(bf), w1_ref[...],
                   preferred_element_type=jnp.float32)
    acc += jnp.dot(e2_ref[...].astype(bf), w2_ref[...],
                   preferred_element_type=jnp.float32)
    o_ref[...] = (acc + b_ref[...]).astype(bf)


def _projection(planes, ws, bias, row_block=2048):
    N = planes[0].shape[0]
    G4 = ws[0].shape[1]
    grid = (N // row_block,)
    return pl.pallas_call(
        _proj_body,
        grid=grid,
        in_specs=[pl.BlockSpec((row_block, 128), lambda i: (i, 0))] * 3
        + [pl.BlockSpec((128, G4), lambda i: (0, 0))] * 3
        + [pl.BlockSpec((1, G4), lambda i: (0, 0))],
        out_specs=pl.BlockSpec((row_block, G4), lambda i: (i, 0)),
        out_shape=jax.ShapeDtypeStruct((N, G4), jnp.bfloat16),
    )(*planes, *ws, bias)



def _rec_body(xp_ref, whh_ref, lw_ref, lb_ref, out_ref, h_ref, c_ref,
              *, H, B, U):
    t = pl.program_id(0)

    @pl.when(t == 0)
    def _init():
        h_ref[...] = jnp.zeros_like(h_ref)
        c_ref[...] = jnp.zeros_like(c_ref)

    h = h_ref[...]
    c = c_ref[...]
    for u in range(U):
        g = xp_ref[u * B : (u + 1) * B, :].astype(jnp.float32) + jnp.dot(
            h.astype(jnp.bfloat16), whh_ref[...],
            preferred_element_type=jnp.float32,
        )
        i = jax.nn.sigmoid(g[:, :H])
        f = jax.nn.sigmoid(g[:, H : 2 * H])
        gg = jnp.tanh(g[:, 2 * H : 3 * H])
        o = jax.nn.sigmoid(g[:, 3 * H :])
        c = f * c + i * gg
        h = o * jnp.tanh(c)
    c_ref[...] = c
    h_ref[...] = h

    @pl.when(t == pl.num_programs(0) - 1)
    def _head():
        out_ref[...] = (
            jnp.dot(h, lw_ref[...], preferred_element_type=jnp.float32)
            + lb_ref[...]
        )


def _recurrence(xp, whhT, lwT, lb, B, unroll=16):
    N, G4 = xp.shape
    S = N // B
    H = G4 // 4
    C = lwT.shape[1]
    return pl.pallas_call(
        functools.partial(_rec_body, H=H, B=B, U=unroll),
        grid=(S // unroll,),
        in_specs=[
            pl.BlockSpec((unroll * B, G4), lambda t: (t, 0)),
            pl.BlockSpec((H, G4), lambda t: (0, 0)),
            pl.BlockSpec((H, C), lambda t: (0, 0)),
            pl.BlockSpec((1, C), lambda t: (0, 0)),
        ],
        out_specs=pl.BlockSpec((B, C), lambda t: (0, 0)),
        out_shape=jax.ShapeDtypeStruct((B, C), jnp.float32),
        scratch_shapes=[
            pltpu.VMEM((B, H), jnp.float32),
            pltpu.VMEM((B, H), jnp.float32),
        ],
    )(xp, whhT, lwT, lb)



def kernel(x, emb, W_ih0, W_hh0, b_ih0, b_hh0,
           W_ih1, W_hh1, b_ih1, b_hh1, linW, linb):
    B, S = x.shape
    V, D = emb.shape
    G4, H = W_hh0.shape[0], W_hh0.shape[1]
    C = linW.shape[0]

    idx = jnp.transpose(x).reshape(-1)
    L0, L1, L2 = _detile(jnp.transpose(emb))
    O0, O1, O2 = _make_gather3(V, S * B)(L0, L1, L2, idx)

    wT = jnp.transpose(W_ih0)
    W0 = wT[0:128].astype(jnp.bfloat16)
    W1 = wT[128:256].astype(jnp.bfloat16)
    W2 = jnp.concatenate(
        [jnp.zeros((84, G4), wT.dtype), wT[256:300]], axis=0
    ).astype(jnp.bfloat16)
    bias = (b_ih0 + b_hh0).reshape(1, G4)
    xp = _projection((O0, O1, O2), (W0, W1, W2), bias)

    whhT = jnp.transpose(W_hh0).astype(jnp.bfloat16)
    lwT = jnp.transpose(linW)
    out = _recurrence(xp, whhT, lwT, linb.reshape(1, C), B)
    return out

# --- scband reference (transcript-rebuilt; emitter-appended) ---
"""Pipeline reference for scband-seq-model-54958401519717 (READ-ONLY COPY).

The authoritative reference and input builder live on the scoring server;
editing this copy changes nothing except your own understanding.
"""

import jax, jax.numpy as jnp
import numpy as np

V = 100000
D = 300
H = 512
B = 32
S = 256
C = 50


def setup_inputs(seed: int = 0) -> dict:
    key = jax.random.key(seed)
    ks = jax.random.split(key, 12)
    x = jax.random.randint(ks[0], (B, S), 0, V)
    emb = jax.random.normal(ks[1], (V, D), dtype=jnp.float32) * 0.1

    def w(k, shp):
        return jax.random.normal(k, shp, dtype=jnp.float32) * 0.05

    return dict(
        x=x,
        emb=emb,
        W_ih0=w(ks[2], (4 * H, D)),
        W_hh0=w(ks[3], (4 * H, H)),
        b_ih0=w(ks[4], (4 * H,)),
        b_hh0=w(ks[5], (4 * H,)),
        W_ih1=w(ks[6], (4 * H, H)),
        W_hh1=w(ks[7], (4 * H, H)),
        b_ih1=w(ks[8], (4 * H,)),
        b_hh1=w(ks[9], (4 * H,)),
        linW=w(ks[10], (C, H)),
        linb=w(ks[11], (C,)),
    )


def _lstm_layer(xseq, Wih, Whh, bih, bhh):
    # xseq: [B, S, in_dim]; PyTorch LSTM gate order: i, f, g, o
    Bn = xseq.shape[0]
    Hn = Whh.shape[1]

    def step(carry, xt):
        h, c = carry
        g = xt @ Wih.T + h @ Whh.T + bih + bhh
        i, f, gg, o = jnp.split(g, 4, axis=-1)
        i = jax.nn.sigmoid(i)
        f = jax.nn.sigmoid(f)
        gg = jnp.tanh(gg)
        o = jax.nn.sigmoid(o)
        c2 = f * c + i * gg
        h2 = o * jnp.tanh(c2)
        return (h2, c2), h2

    init = (jnp.zeros((Bn, Hn), xseq.dtype), jnp.zeros((Bn, Hn), xseq.dtype))
    (hT, _), hs = jax.lax.scan(step, init, jnp.swapaxes(xseq, 0, 1))
    return jnp.swapaxes(hs, 0, 1), hT


def reference(x, emb, W_ih0, W_hh0, b_ih0, b_hh0, W_ih1, W_hh1, b_ih1, b_hh1, linW, linb):
    # embedding lookup (frozen pretrained table)
    e = jnp.take(emb, x, axis=0)  # [B, S, D]
    # 2-layer unidirectional LSTM, batch_first (dropout inactive at inference)
    h0_seq, h0 = _lstm_layer(e, W_ih0, W_hh0, b_ih0, b_hh0)
    h1_seq, h1 = _lstm_layer(h0_seq, W_ih1, W_hh1, b_ih1, b_hh1)
    hn = jnp.stack([h0, h1], axis=0)  # [num_layers, B, H] == h_n in torch
    out = hn @ linW.T + linb          # linear applied to h_n
    return out[0]                      # [B, num_classes] (first layer's hidden)

if __name__ == "__main__":
    import jax
    _d = setup_inputs()
    print(jax.jit(kernel)(*tuple(_d.values())))

</pallas_src>

<mosaic_0001>
#map = affine_map<(d0, d1) -> (0, 0)>
#map1 = affine_map<(d0, d1) -> (0)>
module attributes {stable_mosaic.version = 14 : i64} {
  func.func @gather(%arg0: i32, %arg1: i32, %arg2: memref<100000x128xf32, #tpu.memory_space<hbm>>, %arg3: memref<100000x128xf32, #tpu.memory_space<hbm>>, %arg4: memref<100000x128xf32, #tpu.memory_space<hbm>>, %arg5: memref<8192xi32, #tpu.memory_space<hbm>>, %arg6: memref<8192x128xf32, #tpu.memory_space<hbm>>, %arg7: memref<8192x128xf32, #tpu.memory_space<hbm>>, %arg8: memref<8192x128xf32, #tpu.memory_space<hbm>>, %arg9: memref<2x128xi32, #tpu.memory_space<vmem>>, %arg10: memref<256x128xf32, #tpu.memory_space<vmem>>, %arg11: memref<256x128xf32, #tpu.memory_space<vmem>>, %arg12: memref<256x128xf32, #tpu.memory_space<vmem>>, %arg13: memref<!tpu.dma_semaphore, #tpu.memory_space<semaphore_mem>>, %arg14: memref<!tpu.dma_semaphore, #tpu.memory_space<semaphore_mem>>, %arg15: memref<!tpu.dma_semaphore, #tpu.memory_space<semaphore_mem>>) attributes {dimension_semantics = [#tpu.dimension_semantics<core_parallel>, #tpu.dimension_semantics<subcore_parallel>], iteration_bounds = array<i64: 2, 16>, scalar_prefetch = 0 : i64, scratch_operands = 7 : i64, tpu.core_type = #tpu.core_type<sc_vector_subcore>, window_params = [{transform_indices = #map}, {transform_indices = #map}, {transform_indices = #map}, {transform_indices = #map1}, {transform_indices = #map}, {transform_indices = #map}, {transform_indices = #map}]} {
    %mul3A = arith.constant 2 : i32
    %mul3A_0 = arith.muli %arg1, %mul3A : i32
    %add3A = arith.addi %mul3A_0, %arg0 : i32
    %mul3A_1 = arith.constant 256 : i32
    %mul3A_2 = arith.muli %add3A, %mul3A_1 : i32
    %add3A_3 = arith.constant 0 : i32
    %add3A_4 = arith.addi %mul3A_2, %add3A_3 : i32
    %run_scoped3A = arith.constant 0 : i32
    "tpu.region"() ({
      %run_scoped3A_126 = tpu.sem_alloc : memref<!tpu.dma_semaphore, #tpu.memory_space<semaphore_mem>>
      %dma_start3A_127 = arith.constant 0 : i32
      %dma_start3A_128 = tpu.memref_slice %arg9[%run_scoped3A, %dma_start3A_127] : memref<2x128xi32, #tpu.memory_space<vmem>> -> memref<1x128xi32, #tpu.memory_space<vmem>>
      %dma_start3A_129 = tpu.memref_squeeze %dma_start3A_128 : memref<1x128xi32, #tpu.memory_space<vmem>> -> memref<128xi32, #tpu.memory_space<vmem>>
      %dma_start3A_130 = tpu.memref_slice %arg5[%add3A_4] : memref<8192xi32, #tpu.memory_space<hbm>> -> memref<128xi32, #tpu.memory_space<hbm>>
      %dma_start3A_131 = arith.constant 0 : i32
      %dma_start3A_132 = tpu.memref_slice %arg9[%run_scoped3A, %dma_start3A_131] : memref<2x128xi32, #tpu.memory_space<vmem>> -> memref<1x128xi32, #tpu.memory_space<vmem>>
      %dma_start3A_133 = tpu.memref_squeeze %dma_start3A_132 : memref<1x128xi32, #tpu.memory_space<vmem>> -> memref<128xi32, #tpu.memory_space<vmem>>
      %dma_start3A_134 = tpu.memref_slice %arg5[%add3A_4] : memref<8192xi32, #tpu.memory_space<hbm>> -> memref<128xi32, #tpu.memory_space<hbm>>
      tpu.enqueue_dma source(%dma_start3A_134 : memref<128xi32, #tpu.memory_space<hbm>>) target(%dma_start3A_133 : memref<128xi32, #tpu.memory_space<vmem>>) target_semaphore(%run_scoped3A_126 : memref<!tpu.dma_semaphore, #tpu.memory_space<semaphore_mem>>)
      %dma_wait3A_135 = arith.constant 0 : i32
      %dma_wait3A_136 = tpu.memref_slice %arg9[%run_scoped3A, %dma_wait3A_135] : memref<2x128xi32, #tpu.memory_space<vmem>> -> memref<1x128xi32, #tpu.memory_space<vmem>>
      %dma_wait3A_137 = tpu.memref_squeeze %dma_wait3A_136 : memref<1x128xi32, #tpu.memory_space<vmem>> -> memref<128xi32, #tpu.memory_space<vmem>>
      %dma_wait3A_138 = tpu.memref_slice %arg5[%add3A_4] : memref<8192xi32, #tpu.memory_space<hbm>> -> memref<128xi32, #tpu.memory_space<hbm>>
      %dma_wait3A_139 = arith.constant 0 : i32
      %dma_wait3A_140 = tpu.memref_slice %arg9[%run_scoped3A, %dma_wait3A_139] : memref<2x128xi32, #tpu.memory_space<vmem>> -> memref<1x128xi32, #tpu.memory_space<vmem>>
      %dma_wait3A_141 = tpu.memref_squeeze %dma_wait3A_140 : memref<1x128xi32, #tpu.memory_space<vmem>> -> memref<128xi32, #tpu.memory_space<vmem>>
      %dma_wait3A_142 = tpu.memref_slice %arg5[%add3A_4] : memref<8192xi32, #tpu.memory_space<hbm>> -> memref<128xi32, #tpu.memory_space<hbm>>
      tpu.wait_dma2 semaphore(%run_scoped3A_126 : memref<!tpu.dma_semaphore, #tpu.memory_space<semaphore_mem>>) src(%dma_wait3A_142 : memref<128xi32, #tpu.memory_space<hbm>>) dst(%dma_wait3A_141 : memref<128xi32, #tpu.memory_space<vmem>>)
      tpu.yield
    }) : () -> ()
    %add3A_5 = arith.constant 128 : i32
    %add3A_6 = arith.addi %mul3A_2, %add3A_5 : i32
    %run_scoped3A_7 = arith.constant 1 : i32
    "tpu.region"() ({
      %run_scoped3A_126 = tpu.sem_alloc : memref<!tpu.dma_semaphore, #tpu.memory_space<semaphore_mem>>
      %dma_start3A_127 = arith.constant 0 : i32
      %dma_start3A_128 = tpu.memref_slice %arg9[%run_scoped3A_7, %dma_start3A_127] : memref<2x128xi32, #tpu.memory_space<vmem>> -> memref<1x128xi32, #tpu.memory_space<vmem>>
      %dma_start3A_129 = tpu.memref_squeeze %dma_start3A_128 : memref<1x128xi32, #tpu.memory_space<vmem>> -> memref<128xi32, #tpu.memory_space<vmem>>
      %dma_start3A_130 = tpu.memref_slice %arg5[%add3A_6] : memref<8192xi32, #tpu.memory_space<hbm>> -> memref<128xi32, #tpu.memory_space<hbm>>
      %dma_start3A_131 = arith.constant 0 : i32
      %dma_start3A_132 = tpu.memref_slice %arg9[%run_scoped3A_7, %dma_start3A_131] : memref<2x128xi32, #tpu.memory_space<vmem>> -> memref<1x128xi32, #tpu.memory_space<vmem>>
      %dma_start3A_133 = tpu.memref_squeeze %dma_start3A_132 : memref<1x128xi32, #tpu.memory_space<vmem>> -> memref<128xi32, #tpu.memory_space<vmem>>
      %dma_start3A_134 = tpu.memref_slice %arg5[%add3A_6] : memref<8192xi32, #tpu.memory_space<hbm>> -> memref<128xi32, #tpu.memory_space<hbm>>
      tpu.enqueue_dma source(%dma_start3A_134 : memref<128xi32, #tpu.memory_space<hbm>>) target(%dma_start3A_133 : memref<128xi32, #tpu.memory_space<vmem>>) target_semaphore(%run_scoped3A_126 : memref<!tpu.dma_semaphore, #tpu.memory_space<semaphore_mem>>)
      %dma_wait3A_135 = arith.constant 0 : i32
      %dma_wait3A_136 = tpu.memref_slice %arg9[%run_scoped3A_7, %dma_wait3A_135] : memref<2x128xi32, #tpu.memory_space<vmem>> -> memref<1x128xi32, #tpu.memory_space<vmem>>
      %dma_wait3A_137 = tpu.memref_squeeze %dma_wait3A_136 : memref<1x128xi32, #tpu.memory_space<vmem>> -> memref<128xi32, #tpu.memory_space<vmem>>
      %dma_wait3A_138 = tpu.memref_slice %arg5[%add3A_6] : memref<8192xi32, #tpu.memory_space<hbm>> -> memref<128xi32, #tpu.memory_space<hbm>>
      %dma_wait3A_139 = arith.constant 0 : i32
      %dma_wait3A_140 = tpu.memref_slice %arg9[%run_scoped3A_7, %dma_wait3A_139] : memref<2x128xi32, #tpu.memory_space<vmem>> -> memref<1x128xi32, #tpu.memory_space<vmem>>
      %dma_wait3A_141 = tpu.memref_squeeze %dma_wait3A_140 : memref<1x128xi32, #tpu.memory_space<vmem>> -> memref<128xi32, #tpu.memory_space<vmem>>
      %dma_wait3A_142 = tpu.memref_slice %arg5[%add3A_6] : memref<8192xi32, #tpu.memory_space<hbm>> -> memref<128xi32, #tpu.memory_space<hbm>>
      tpu.wait_dma2 semaphore(%run_scoped3A_126 : memref<!tpu.dma_semaphore, #tpu.memory_space<semaphore_mem>>) src(%dma_wait3A_142 : memref<128xi32, #tpu.memory_space<hbm>>) dst(%dma_wait3A_141 : memref<128xi32, #tpu.memory_space<vmem>>)
      tpu.yield
    }) : () -> ()
    %dma_start3A = arith.constant 0 : i32
    %dma_start3A_8 = arith.constant 0 : i32
    %dma_start3A_9 = arith.constant 0 : i32
    %dma_start3A_10 = tpu.memref_slice %arg10[%dma_start3A_8, %dma_start3A_9] : memref<256x128xf32, #tpu.memory_space<vmem>> -> memref<128x128xf32, #tpu.memory_space<vmem>>
    %dma_start3A_11 = arith.constant 0 : i32
    %dma_start3A_12 = tpu.memref_slice %arg9[%dma_start3A, %dma_start3A_11] : memref<2x128xi32, #tpu.memory_space<vmem>> -> memref<1x128xi32, #tpu.memory_space<vmem>>
    %dma_start3A_13 = tpu.memref_squeeze %dma_start3A_12 : memref<1x128xi32, #tpu.memory_space<vmem>> -> memref<128xi32, #tpu.memory_space<vmem>>
    %dma_start3A_14 = arith.constant 0 : i32
    %dma_start3A_15 = arith.constant 0 : i32
    %dma_start3A_16 = tpu.memref_slice %arg2[%dma_start3A_14, %dma_start3A_15] : memref<100000x128xf32, #tpu.memory_space<hbm>> -> memref<100000x128xf32, #tpu.memory_space<hbm>>
    tpu.enqueue_indirect_dma source(%dma_start3A_16 : memref<100000x128xf32, #tpu.memory_space<hbm>>) target(%dma_start3A_10 : memref<128x128xf32, #tpu.memory_space<vmem>>) offsets(%dma_start3A_13 : memref<128xi32, #tpu.memory_space<vmem>>) semaphore(%arg13 : memref<!tpu.dma_semaphore, #tpu.memory_space<semaphore_mem>>)
    %dma_start3A_17 = arith.constant 0 : i32
    %dma_start3A_18 = arith.constant 0 : i32
    %dma_start3A_19 = arith.constant 0 : i32
    %dma_start3A_20 = tpu.memref_slice %arg11[%dma_start3A_18, %dma_start3A_19] : memref<256x128xf32, #tpu.memory_space<vmem>> -> memref<128x128xf32, #tpu.memory_space<vmem>>
    %dma_start3A_21 = arith.constant 0 : i32
    %dma_start3A_22 = tpu.memref_slice %arg9[%dma_start3A_17, %dma_start3A_21] : memref<2x128xi32, #tpu.memory_space<vmem>> -> memref<1x128xi32, #tpu.memory_space<vmem>>
    %dma_start3A_23 = tpu.memref_squeeze %dma_start3A_22 : memref<1x128xi32, #tpu.memory_space<vmem>> -> memref<128xi32, #tpu.memory_space<vmem>>
    %dma_start3A_24 = arith.constant 0 : i32
    %dma_start3A_25 = arith.constant 0 : i32
    %dma_start3A_26 = tpu.memref_slice %arg3[%dma_start3A_24, %dma_start3A_25] : memref<100000x128xf32, #tpu.memory_space<hbm>> -> memref<100000x128xf32, #tpu.memory_space<hbm>>
    tpu.enqueue_indirect_dma source(%dma_start3A_26 : memref<100000x128xf32, #tpu.memory_space<hbm>>) target(%dma_start3A_20 : memref<128x128xf32, #tpu.memory_space<vmem>>) offsets(%dma_start3A_23 : memref<128xi32, #tpu.memory_space<vmem>>) semaphore(%arg14 : memref<!tpu.dma_semaphore, #tpu.memory_space<semaphore_mem>>)
    %dma_start3A_27 = arith.constant 0 : i32
    %dma_start3A_28 = arith.constant 0 : i32
    %dma_start3A_29 = arith.constant 0 : i32
    %dma_start3A_30 = tpu.memref_slice %arg12[%dma_start3A_28, %dma_start3A_29] : memref<256x128xf32, #tpu.memory_space<vmem>> -> memref<128x128xf32, #tpu.memory_space<vmem>>
    %dma_start3A_31 = arith.constant 0 : i32
    %dma_start3A_32 = tpu.memref_slice %arg9[%dma_start3A_27, %dma_start3A_31] : memref<2x128xi32, #tpu.memory_space<vmem>> -> memref<1x128xi32, #tpu.memory_space<vmem>>
    %dma_start3A_33 = tpu.memref_squeeze %dma_start3A_32 : memref<1x128xi32, #tpu.memory_space<vmem>> -> memref<128xi32, #tpu.memory_space<vmem>>
    %dma_start3A_34 = arith.constant 0 : i32
    %dma_start3A_35 = arith.constant 0 : i32
    %dma_start3A_36 = tpu.memref_slice %arg4[%dma_start3A_34, %dma_start3A_35] : memref<100000x128xf32, #tpu.memory_space<hbm>> -> memref<100000x128xf32, #tpu.memory_space<hbm>>
    tpu.enqueue_indirect_dma source(%dma_start3A_36 : memref<100000x128xf32, #tpu.memory_space<hbm>>) target(%dma_start3A_30 : memref<128x128xf32, #tpu.memory_space<vmem>>) offsets(%dma_start3A_33 : memref<128xi32, #tpu.memory_space<vmem>>) semaphore(%arg15 : memref<!tpu.dma_semaphore, #tpu.memory_space<semaphore_mem>>)
    %dma_start3A_37 = arith.constant 1 : i32
    %dma_start3A_38 = arith.constant 128 : i32
    %dma_start3A_39 = arith.constant 0 : i32
    %dma_start3A_40 = tpu.memref_slice %arg10[%dma_start3A_38, %dma_start3A_39] : memref<256x128xf32, #tpu.memory_space<vmem>> -> memref<128x128xf32, #tpu.memory_space<vmem>>
    %dma_start3A_41 = arith.constant 0 : i32
    %dma_start3A_42 = tpu.memref_slice %arg9[%dma_start3A_37, %dma_start3A_41] : memref<2x128xi32, #tpu.memory_space<vmem>> -> memref<1x128xi32, #tpu.memory_space<vmem>>
    %dma_start3A_43 = tpu.memref_squeeze %dma_start3A_42 : memref<1x128xi32, #tpu.memory_space<vmem>> -> memref<128xi32, #tpu.memory_space<vmem>>
    %dma_start3A_44 = arith.constant 0 : i32
    %dma_start3A_45 = arith.constant 0 : i32
    %dma_start3A_46 = tpu.memref_slice %arg2[%dma_start3A_44, %dma_start3A_45] : memref<100000x128xf32, #tpu.memory_space<hbm>> -> memref<100000x128xf32, #tpu.memory_space<hbm>>
    tpu.enqueue_indirect_dma source(%dma_start3A_46 : memref<100000x128xf32, #tpu.memory_space<hbm>>) target(%dma_start3A_40 : memref<128x128xf32, #tpu.memory_space<vmem>>) offsets(%dma_start3A_43 : memref<128xi32, #tpu.memory_space<vmem>>) semaphore(%arg13 : memref<!tpu.dma_semaphore, #tpu.memory_space<semaphore_mem>>)
    %dma_start3A_47 = arith.constant 1 : i32
    %dma_start3A_48 = arith.constant 128 : i32
    %dma_start3A_49 = arith.constant 0 : i32
    %dma_start3A_50 = tpu.memref_slice %arg11[%dma_start3A_48, %dma_start3A_49] : memref<256x128xf32, #tpu.memory_space<vmem>> -> memref<128x128xf32, #tpu.memory_space<vmem>>
    %dma_start3A_51 = arith.constant 0 : i32
    %dma_start3A_52 = tpu.memref_slice %arg9[%dma_start3A_47, %dma_start3A_51] : memref<2x128xi32, #tpu.memory_space<vmem>> -> memref<1x128xi32, #tpu.memory_space<vmem>>
    %dma_start3A_53 = tpu.memref_squeeze %dma_start3A_52 : memref<1x128xi32, #tpu.memory_space<vmem>> -> memref<128xi32, #tpu.memory_space<vmem>>
    %dma_start3A_54 = arith.constant 0 : i32
    %dma_start3A_55 = arith.constant 0 : i32
    %dma_start3A_56 = tpu.memref_slice %arg3[%dma_start3A_54, %dma_start3A_55] : memref<100000x128xf32, #tpu.memory_space<hbm>> -> memref<100000x128xf32, #tpu.memory_space<hbm>>
    tpu.enqueue_indirect_dma source(%dma_start3A_56 : memref<100000x128xf32, #tpu.memory_space<hbm>>) target(%dma_start3A_50 : memref<128x128xf32, #tpu.memory_space<vmem>>) offsets(%dma_start3A_53 : memref<128xi32, #tpu.memory_space<vmem>>) semaphore(%arg14 : memref<!tpu.dma_semaphore, #tpu.memory_space<semaphore_mem>>)
    %dma_start3A_57 = arith.constant 1 : i32
    %dma_start3A_58 = arith.constant 128 : i32
    %dma_start3A_59 = arith.constant 0 : i32
    %dma_start3A_60 = tpu.memref_slice %arg12[%dma_start3A_58, %dma_start3A_59] : memref<256x128xf32, #tpu.memory_space<vmem>> -> memref<128x128xf32, #tpu.memory_space<vmem>>
    %dma_start3A_61 = arith.constant 0 : i32
    %dma_start3A_62 = tpu.memref_slice %arg9[%dma_start3A_57, %dma_start3A_61] : memref<2x128xi32, #tpu.memory_space<vmem>> -> memref<1x128xi32, #tpu.memory_space<vmem>>
    %dma_start3A_63 = tpu.memref_squeeze %dma_start3A_62 : memref<1x128xi32, #tpu.memory_space<vmem>> -> memref<128xi32, #tpu.memory_space<vmem>>
    %dma_start3A_64 = arith.constant 0 : i32
    %dma_start3A_65 = arith.constant 0 : i32
    %dma_start3A_66 = tpu.memref_slice %arg4[%dma_start3A_64, %dma_start3A_65] : memref<100000x128xf32, #tpu.memory_space<hbm>> -> memref<100000x128xf32, #tpu.memory_space<hbm>>
    tpu.enqueue_indirect_dma source(%dma_start3A_66 : memref<100000x128xf32, #tpu.memory_space<hbm>>) target(%dma_start3A_60 : memref<128x128xf32, #tpu.memory_space<vmem>>) offsets(%dma_start3A_63 : memref<128xi32, #tpu.memory_space<vmem>>) semaphore(%arg15 : memref<!tpu.dma_semaphore, #tpu.memory_space<semaphore_mem>>)
    %dma_wait3A = arith.constant 0 : i32
    %dma_wait3A_67 = arith.constant 0 : i32
    %dma_wait3A_68 = arith.constant 0 : i32
    %dma_wait3A_69 = tpu.memref_slice %arg10[%dma_wait3A_67, %dma_wait3A_68] : memref<256x128xf32, #tpu.memory_space<vmem>> -> memref<128x128xf32, #tpu.memory_space<vmem>>
    %dma_wait3A_70 = arith.constant 0 : i32
    %dma_wait3A_71 = tpu.memref_slice %arg9[%dma_wait3A, %dma_wait3A_70] : memref<2x128xi32, #tpu.memory_space<vmem>> -> memref<1x128xi32, #tpu.memory_space<vmem>>
    %dma_wait3A_72 = tpu.memref_squeeze %dma_wait3A_71 : memref<1x128xi32, #tpu.memory_space<vmem>> -> memref<128xi32, #tpu.memory_space<vmem>>
    %dma_wait3A_73 = arith.constant 0 : i32
    %dma_wait3A_74 = arith.constant 0 : i32
    %dma_wait3A_75 = tpu.memref_slice %arg2[%dma_wait3A_73, %dma_wait3A_74] : memref<100000x128xf32, #tpu.memory_space<hbm>> -> memref<100000x128xf32, #tpu.memory_space<hbm>>
    tpu.wait_indirect_dma semaphore(%arg13 : memref<!tpu.dma_semaphore, #tpu.memory_space<semaphore_mem>>) src(%dma_wait3A_75 : memref<100000x128xf32, #tpu.memory_space<hbm>>) dst(%dma_wait3A_69 : memref<128x128xf32, #tpu.memory_space<vmem>>)
    %dma_wait3A_76 = arith.constant 0 : i32
    %dma_wait3A_77 = arith.constant 0 : i32
    %dma_wait3A_78 = arith.constant 0 : i32
    %dma_wait3A_79 = tpu.memref_slice %arg11[%dma_wait3A_77, %dma_wait3A_78] : memref<256x128xf32, #tpu.memory_space<vmem>> -> memref<128x128xf32, #tpu.memory_space<vmem>>
    %dma_wait3A_80 = arith.constant 0 : i32
    %dma_wait3A_81 = tpu.memref_slice %arg9[%dma_wait3A_76, %dma_wait3A_80] : memref<2x128xi32, #tpu.memory_space<vmem>> -> memref<1x128xi32, #tpu.memory_space<vmem>>
    %dma_wait3A_82 = tpu.memref_squeeze %dma_wait3A_81 : memref<1x128xi32, #tpu.memory_space<vmem>> -> memref<128xi32, #tpu.memory_space<vmem>>
    %dma_wait3A_83 = arith.constant 0 : i32
    %dma_wait3A_84 = arith.constant 0 : i32
    %dma_wait3A_85 = tpu.memref_slice %arg3[%dma_wait3A_83, %dma_wait3A_84] : memref<100000x128xf32, #tpu.memory_space<hbm>> -> memref<100000x128xf32, #tpu.memory_space<hbm>>
    tpu.wait_indirect_dma semaphore(%arg14 : memref<!tpu.dma_semaphore, #tpu.memory_space<semaphore_mem>>) src(%dma_wait3A_85 : memref<100000x128xf32, #tpu.memory_space<hbm>>) dst(%dma_wait3A_79 : memref<128x128xf32, #tpu.memory_space<vmem>>)
    %dma_wait3A_86 = arith.constant 0 : i32
    %dma_wait3A_87 = arith.constant 0 : i32
    %dma_wait3A_88 = arith.constant 0 : i32
    %dma_wait3A_89 = tpu.memref_slice %arg12[%dma_wait3A_87, %dma_wait3A_88] : memref<256x128xf32, #tpu.memory_space<vmem>> -> memref<128x128xf32, #tpu.memory_space<vmem>>
    %dma_wait3A_90 = arith.constant 0 : i32
    %dma_wait3A_91 = tpu.memref_slice %arg9[%dma_wait3A_86, %dma_wait3A_90] : memref<2x128xi32, #tpu.memory_space<vmem>> -> memref<1x128xi32, #tpu.memory_space<vmem>>
    %dma_wait3A_92 = tpu.memref_squeeze %dma_wait3A_91 : memref<1x128xi32, #tpu.memory_space<vmem>> -> memref<128xi32, #tpu.memory_space<vmem>>
    %dma_wait3A_93 = arith.constant 0 : i32
    %dma_wait3A_94 = arith.constant 0 : i32
    %dma_wait3A_95 = tpu.memref_slice %arg4[%dma_wait3A_93, %dma_wait3A_94] : memref<100000x128xf32, #tpu.memory_space<hbm>> -> memref<100000x128xf32, #tpu.memory_space<hbm>>
    tpu.wait_indirect_dma semaphore(%arg15 : memref<!tpu.dma_semaphore, #tpu.memory_space<semaphore_mem>>) src(%dma_wait3A_95 : memref<100000x128xf32, #tpu.memory_space<hbm>>) dst(%dma_wait3A_89 : memref<128x128xf32, #tpu.memory_space<vmem>>)
    %dma_wait3A_96 = arith.constant 1 : i32
    %dma_wait3A_97 = arith.constant 128 : i32
    %dma_wait3A_98 = arith.constant 0 : i32
    %dma_wait3A_99 = tpu.memref_slice %arg10[%dma_wait3A_97, %dma_wait3A_98] : memref<256x128xf32, #tpu.memory_space<vmem>> -> memref<128x128xf32, #tpu.memory_space<vmem>>
    %dma_wait3A_100 = arith.constant 0 : i32
    %dma_wait3A_101 = tpu.memref_slice %arg9[%dma_wait3A_96, %dma_wait3A_100] : memref<2x128xi32, #tpu.memory_space<vmem>> -> memref<1x128xi32, #tpu.memory_space<vmem>>
    %dma_wait3A_102 = tpu.memref_squeeze %dma_wait3A_101 : memref<1x128xi32, #tpu.memory_space<vmem>> -> memref<128xi32, #tpu.memory_space<vmem>>
    %dma_wait3A_103 = arith.constant 0 : i32
    %dma_wait3A_104 = arith.constant 0 : i32
    %dma_wait3A_105 = tpu.memref_slice %arg2[%dma_wait3A_103, %dma_wait3A_104] : memref<100000x128xf32, #tpu.memory_space<hbm>> -> memref<100000x128xf32, #tpu.memory_space<hbm>>
    tpu.wait_indirect_dma semaphore(%arg13 : memref<!tpu.dma_semaphore, #tpu.memory_space<semaphore_mem>>) src(%dma_wait3A_105 : memref<100000x128xf32, #tpu.memory_space<hbm>>) dst(%dma_wait3A_99 : memref<128x128xf32, #tpu.memory_space<vmem>>)
    %dma_wait3A_106 = arith.constant 1 : i32
    %dma_wait3A_107 = arith.constant 128 : i32
    %dma_wait3A_108 = arith.constant 0 : i32
    %dma_wait3A_109 = tpu.memref_slice %arg11[%dma_wait3A_107, %dma_wait3A_108] : memref<256x128xf32, #tpu.memory_space<vmem>> -> memref<128x128xf32, #tpu.memory_space<vmem>>
    %dma_wait3A_110 = arith.constant 0 : i32
    %dma_wait3A_111 = tpu.memref_slice %arg9[%dma_wait3A_106, %dma_wait3A_110] : memref<2x128xi32, #tpu.memory_space<vmem>> -> memref<1x128xi32, #tpu.memory_space<vmem>>
    %dma_wait3A_112 = tpu.memref_squeeze %dma_wait3A_111 : memref<1x128xi32, #tpu.memory_space<vmem>> -> memref<128xi32, #tpu.memory_space<vmem>>
    %dma_wait3A_113 = arith.constant 0 : i32
    %dma_wait3A_114 = arith.constant 0 : i32
    %dma_wait3A_115 = tpu.memref_slice %arg3[%dma_wait3A_113, %dma_wait3A_114] : memref<100000x128xf32, #tpu.memory_space<hbm>> -> memref<100000x128xf32, #tpu.memory_space<hbm>>
    tpu.wait_indirect_dma semaphore(%arg14 : memref<!tpu.dma_semaphore, #tpu.memory_space<semaphore_mem>>) src(%dma_wait3A_115 : memref<100000x128xf32, #tpu.memory_space<hbm>>) dst(%dma_wait3A_109 : memref<128x128xf32, #tpu.memory_space<vmem>>)
    %dma_wait3A_116 = arith.constant 1 : i32
    %dma_wait3A_117 = arith.constant 128 : i32
    %dma_wait3A_118 = arith.constant 0 : i32
    %dma_wait3A_119 = tpu.memref_slice %arg12[%dma_wait3A_117, %dma_wait3A_118] : memref<256x128xf32, #tpu.memory_space<vmem>> -> memref<128x128xf32, #tpu.memory_space<vmem>>
    %dma_wait3A_120 = arith.constant 0 : i32
    %dma_wait3A_121 = tpu.memref_slice %arg9[%dma_wait3A_116, %dma_wait3A_120] : memref<2x128xi32, #tpu.memory_space<vmem>> -> memref<1x128xi32, #tpu.memory_space<vmem>>
    %dma_wait3A_122 = tpu.memref_squeeze %dma_wait3A_121 : memref<1x128xi32, #tpu.memory_space<vmem>> -> memref<128xi32, #tpu.memory_space<vmem>>
    %dma_wait3A_123 = arith.constant 0 : i32
    %dma_wait3A_124 = arith.constant 0 : i32
    %dma_wait3A_125 = tpu.memref_slice %arg4[%dma_wait3A_123, %dma_wait3A_124] : memref<100000x128xf32, #tpu.memory_space<hbm>> -> memref<100000x128xf32, #tpu.memory_space<hbm>>
    tpu.wait_indirect_dma semaphore(%arg15 : memref<!tpu.dma_semaphore, #tpu.memory_space<semaphore_mem>>) src(%dma_wait3A_125 : memref<100000x128xf32, #tpu.memory_space<hbm>>) dst(%dma_wait3A_119 : memref<128x128xf32, #tpu.memory_space<vmem>>)
    "tpu.region"() ({
      %run_scoped3A_126 = tpu.sem_alloc : memref<!tpu.dma_semaphore, #tpu.memory_space<semaphore_mem>>
      %dma_start3A_127 = arith.constant 0 : i32
      %dma_start3A_128 = tpu.memref_slice %arg6[%mul3A_2, %dma_start3A_127] : memref<8192x128xf32, #tpu.memory_space<hbm>> -> memref<256x128xf32, #tpu.memory_space<hbm>>
      %dma_start3A_129 = arith.constant 0 : i32
      %dma_start3A_130 = tpu.memref_slice %arg6[%mul3A_2, %dma_start3A_129] : memref<8192x128xf32, #tpu.memory_space<hbm>> -> memref<256x128xf32, #tpu.memory_space<hbm>>
      tpu.enqueue_dma source(%arg10 : memref<256x128xf32, #tpu.memory_space<vmem>>) target(%dma_start3A_130 : memref<256x128xf32, #tpu.memory_space<hbm>>) target_semaphore(%run_scoped3A_126 : memref<!tpu.dma_semaphore, #tpu.memory_space<semaphore_mem>>)
      %dma_wait3A_131 = arith.constant 0 : i32
      %dma_wait3A_132 = tpu.memref_slice %arg6[%mul3A_2, %dma_wait3A_131] : memref<8192x128xf32, #tpu.memory_space<hbm>> -> memref<256x128xf32, #tpu.memory_space<hbm>>
      %dma_wait3A_133 = arith.constant 0 : i32
      %dma_wait3A_134 = tpu.memref_slice %arg6[%mul3A_2, %dma_wait3A_133] : memref<8192x128xf32, #tpu.memory_space<hbm>> -> memref<256x128xf32, #tpu.memory_space<hbm>>
      tpu.wait_dma2 semaphore(%run_scoped3A_126 : memref<!tpu.dma_semaphore, #tpu.memory_space<semaphore_mem>>) src(%arg10 : memref<256x128xf32, #tpu.memory_space<vmem>>) dst(%dma_wait3A_134 : memref<256x128xf32, #tpu.memory_space<hbm>>)
      tpu.yield
    }) : () -> ()
    "tpu.region"() ({
      %run_scoped3A_126 = tpu.sem_alloc : memref<!tpu.dma_semaphore, #tpu.memory_space<semaphore_mem>>
      %dma_start3A_127 = arith.constant 0 : i32
      %dma_start3A_128 = tpu.memref_slice %arg7[%mul3A_2, %dma_start3A_127] : memref<8192x128xf32, #tpu.memory_space<hbm>> -> memref<256x128xf32, #tpu.memory_space<hbm>>
      %dma_start3A_129 = arith.constant 0 : i32
      %dma_start3A_130 = tpu.memref_slice %arg7[%mul3A_2, %dma_start3A_129] : memref<8192x128xf32, #tpu.memory_space<hbm>> -> memref<256x128xf32, #tpu.memory_space<hbm>>
      tpu.enqueue_dma source(%arg11 : memref<256x128xf32, #tpu.memory_space<vmem>>) target(%dma_start3A_130 : memref<256x128xf32, #tpu.memory_space<hbm>>) target_semaphore(%run_scoped3A_126 : memref<!tpu.dma_semaphore, #tpu.memory_space<semaphore_mem>>)
      %dma_wait3A_131 = arith.constant 0 : i32
      %dma_wait3A_132 = tpu.memref_slice %arg7[%mul3A_2, %dma_wait3A_131] : memref<8192x128xf32, #tpu.memory_space<hbm>> -> memref<256x128xf32, #tpu.memory_space<hbm>>
      %dma_wait3A_133 = arith.constant 0 : i32
      %dma_wait3A_134 = tpu.memref_slice %arg7[%mul3A_2, %dma_wait3A_133] : memref<8192x128xf32, #tpu.memory_space<hbm>> -> memref<256x128xf32, #tpu.memory_space<hbm>>
      tpu.wait_dma2 semaphore(%run_scoped3A_126 : memref<!tpu.dma_semaphore, #tpu.memory_space<semaphore_mem>>) src(%arg11 : memref<256x128xf32, #tpu.memory_space<vmem>>) dst(%dma_wait3A_134 : memref<256x128xf32, #tpu.memory_space<hbm>>)
      tpu.yield
    }) : () -> ()
    "tpu.region"() ({
      %run_scoped3A_126 = tpu.sem_alloc : memref<!tpu.dma_semaphore, #tpu.memory_space<semaphore_mem>>
      %dma_start3A_127 = arith.constant 0 : i32
      %dma_start3A_128 = tpu.memref_slice %arg8[%mul3A_2, %dma_start3A_127] : memref<8192x128xf32, #tpu.memory_space<hbm>> -> memref<256x128xf32, #tpu.memory_space<hbm>>
      %dma_start3A_129 = arith.constant 0 : i32
      %dma_start3A_130 = tpu.memref_slice %arg8[%mul3A_2, %dma_start3A_129] : memref<8192x128xf32, #tpu.memory_space<hbm>> -> memref<256x128xf32, #tpu.memory_space<hbm>>
      tpu.enqueue_dma source(%arg12 : memref<256x128xf32, #tpu.memory_space<vmem>>) target(%dma_start3A_130 : memref<256x128xf32, #tpu.memory_space<hbm>>) target_semaphore(%run_scoped3A_126 : memref<!tpu.dma_semaphore, #tpu.memory_space<semaphore_mem>>)
      %dma_wait3A_131 = arith.constant 0 : i32
      %dma_wait3A_132 = tpu.memref_slice %arg8[%mul3A_2, %dma_wait3A_131] : memref<8192x128xf32, #tpu.memory_space<hbm>> -> memref<256x128xf32, #tpu.memory_space<hbm>>
      %dma_wait3A_133 = arith.constant 0 : i32
      %dma_wait3A_134 = tpu.memref_slice %arg8[%mul3A_2, %dma_wait3A_133] : memref<8192x128xf32, #tpu.memory_space<hbm>> -> memref<256x128xf32, #tpu.memory_space<hbm>>
      tpu.wait_dma2 semaphore(%run_scoped3A_126 : memref<!tpu.dma_semaphore, #tpu.memory_space<semaphore_mem>>) src(%arg12 : memref<256x128xf32, #tpu.memory_space<vmem>>) dst(%dma_wait3A_134 : memref<256x128xf32, #tpu.memory_space<hbm>>)
      tpu.yield
    }) : () -> ()
    return
  }
}

module attributes {stable_mosaic.version = 14 : i64} {
  func.func @_detile_body(%arg0: i32, %arg1: memref<300x4096xf32, #tpu.memory_space<vmem>>, %arg2: memref<4096x128xf32, #tpu.memory_space<vmem>>, %arg3: memref<4096x128xf32, #tpu.memory_space<vmem>>, %arg4: memref<4096x128xf32, #tpu.memory_space<vmem>>) attributes {dimension_semantics = [#tpu.dimension_semantics<arbitrary>], iteration_bounds = array<i64: 25>, scalar_prefetch = 0 : i64, scratch_operands = 0 : i64, tpu.core_type = #tpu.core_type<tc>, window_params = [{transform_indices = @transform_0, window_bounds = array<i64: 300, 4096>}, {transform_indices = @transform_1, window_bounds = array<i64: 4096, 128>}, {transform_indices = @transform_2, window_bounds = array<i64: 4096, 128>}, {transform_indices = @transform_3, window_bounds = array<i64: 4096, 128>}]} {
    %get3A = arith.constant 0 : index
    %get3A_0 = arith.constant 0 : index
    %get3A_1 = vector.load %arg1[%get3A, %get3A_0] : memref<300x4096xf32, #tpu.memory_space<vmem>>, vector<300x4096xf32>
    %slice3A = vector.extract_strided_slice %get3A_1 {offsets = [0, 0], sizes = [128, 4096], strides = [1, 1]} : vector<300x4096xf32> to vector<128x4096xf32>
    %transpose3A = tpu.transpose %slice3A, [1, 0] : vector<128x4096xf32> -> vector<4096x128xf32>
    %swap3A = arith.constant 0 : index
    %swap3A_2 = arith.constant 0 : index
    %swap3A_3 = vector.load %arg2[%swap3A, %swap3A_2] : memref<4096x128xf32, #tpu.memory_space<vmem>>, vector<4096x128xf32>
    tpu.vector_store %arg2[%swap3A, %swap3A_2], %transpose3A {strides = array<i32>} : memref<4096x128xf32, #tpu.memory_space<vmem>>, vector<4096x128xf32>,
    %slice3A_4 = vector.extract_strided_slice %get3A_1 {offsets = [128, 0], sizes = [128, 4096], strides = [1, 1]} : vector<300x4096xf32> to vector<128x4096xf32>
    %transpose3A_5 = tpu.transpose %slice3A_4, [1, 0] : vector<128x4096xf32> -> vector<4096x128xf32>
    %swap3A_6 = arith.constant 0 : index
    %swap3A_7 = arith.constant 0 : index
    %swap3A_8 = vector.load %arg3[%swap3A_6, %swap3A_7] : memref<4096x128xf32, #tpu.memory_space<vmem>>, vector<4096x128xf32>
    tpu.vector_store %arg3[%swap3A_6, %swap3A_7], %transpose3A_5 {strides = array<i32>} : memref<4096x128xf32, #tpu.memory_space<vmem>>, vector<4096x128xf32>,
    %slice3A_9 = vector.extract_strided_slice %get3A_1 {offsets = [172, 0], sizes = [128, 4096], strides = [1, 1]} : vector<300x4096xf32> to vector<128x4096xf32>
    %transpose3A_10 = tpu.transpose %slice3A_9, [1, 0] : vector<128x4096xf32> -> vector<4096x128xf32>
    %swap3A_11 = arith.constant 0 : index
    %swap3A_12 = arith.constant 0 : index
    %swap3A_13 = vector.load %arg4[%swap3A_11, %swap3A_12] : memref<4096x128xf32, #tpu.memory_space<vmem>>, vector<4096x128xf32>
    tpu.vector_store %arg4[%swap3A_11, %swap3A_12], %transpose3A_10 {strides = array<i32>} : memref<4096x128xf32, #tpu.memory_space<vmem>>, vector<4096x128xf32>,
    return
  }
  func.func @transform_0(%arg0: i32) -> (i32, i32) {
    %c0_i32 = arith.constant 0 : i32
    %c0_i32_0 = arith.constant 0 : i32
    return %c0_i32, %arg0 : i32, i32
  }
  func.func @transform_1(%arg0: i32) -> (i32, i32) {
    %c0_i32 = arith.constant 0 : i32
    %c0_i32_0 = arith.constant 0 : i32
    return %arg0, %c0_i32 : i32, i32
  }
  func.func @transform_2(%arg0: i32) -> (i32, i32) {
    %c0_i32 = arith.constant 0 : i32
    %c0_i32_0 = arith.constant 0 : i32
    return %arg0, %c0_i32 : i32, i32
  }
  func.func @transform_3(%arg0: i32) -> (i32, i32) {
    %c0_i32 = arith.constant 0 : i32
    %c0_i32_0 = arith.constant 0 : i32
    return %arg0, %c0_i32 : i32, i32
  }
}

module attributes {stable_mosaic.version = 14 : i64} {
  func.func @_proj_body(%arg0: i32, %arg1: memref<2048x128xf32, #tpu.memory_space<vmem>>, %arg2: memref<2048x128xf32, #tpu.memory_space<vmem>>, %arg3: memref<2048x128xf32, #tpu.memory_space<vmem>>, %arg4: memref<128x2048xbf16, #tpu.memory_space<vmem>>, %arg5: memref<128x2048xbf16, #tpu.memory_space<vmem>>, %arg6: memref<128x2048xbf16, #tpu.memory_space<vmem>>, %arg7: memref<1x2048xf32, #tpu.memory_space<vmem>>, %arg8: memref<2048x2048xbf16, #tpu.memory_space<vmem>>) attributes {dimension_semantics = [#tpu.dimension_semantics<arbitrary>], iteration_bounds = array<i64: 4>, scalar_prefetch = 0 : i64, scratch_operands = 0 : i64, tpu.core_type = #tpu.core_type<tc>, window_params = [{transform_indices = @transform_0, window_bounds = array<i64: 2048, 128>}, {transform_indices = @transform_1, window_bounds = array<i64: 2048, 128>}, {transform_indices = @transform_2, window_bounds = array<i64: 2048, 128>}, {pipeline_mode = #tpu.pipeline_mode<synchronous>, transform_indices = @transform_3, window_bounds = array<i64: 128, 2048>}, {pipeline_mode = #tpu.pipeline_mode<synchronous>, transform_indices = @transform_4, window_bounds = array<i64: 128, 2048>}, {pipeline_mode = #tpu.pipeline_mode<synchronous>, transform_indices = @transform_5, window_bounds = array<i64: 128, 2048>}, {pipeline_mode = #tpu.pipeline_mode<synchronous>, transform_indices = @transform_6, window_bounds = array<i64: 1, 2048>}, {transform_indices = @transform_7, window_bounds = array<i64: 2048, 2048>}]} {
    %get3A = arith.constant 0 : index
    %get3A_0 = arith.constant 0 : index
    %get3A_1 = vector.load %arg1[%get3A, %get3A_0] : memref<2048x128xf32, #tpu.memory_space<vmem>>, vector<2048x128xf32>
    %convert_element_type3A = arith.truncf %get3A_1 : vector<2048x128xf32> to vector<2048x128xbf16>
    %get3A_2 = arith.constant 0 : index
    %get3A_3 = arith.constant 0 : index
    %get3A_4 = vector.load %arg4[%get3A_2, %get3A_3] : memref<128x2048xbf16, #tpu.memory_space<vmem>>, vector<128x2048xbf16>
    %dot_general3A = arith.constant dense<0.000000e+00> : vector<2048x2048xf32>
    %dot_general3A_5 = tpu.matmul %convert_element_type3A, %get3A_4, %dot_general3A {dimension_numbers = #tpu.dot_dimension_numbers<[1], [0], [0], [1], [0, 0, 1, 1], [], []>, transpose_lhs_hint = false} : vector<2048x128xbf16>, vector<128x2048xbf16>, vector<2048x2048xf32> -> vector<2048x2048xf32>
    %get3A_6 = arith.constant 0 : index
    %get3A_7 = arith.constant 0 : index
    %get3A_8 = vector.load %arg2[%get3A_6, %get3A_7] : memref<2048x128xf32, #tpu.memory_space<vmem>>, vector<2048x128xf32>
    %convert_element_type3A_9 = arith.truncf %get3A_8 : vector<2048x128xf32> to vector<2048x128xbf16>
    %get3A_10 = arith.constant 0 : index
    %get3A_11 = arith.constant 0 : index
    %get3A_12 = vector.load %arg5[%get3A_10, %get3A_11] : memref<128x2048xbf16, #tpu.memory_space<vmem>>, vector<128x2048xbf16>
    %dot_general3A_13 = arith.constant dense<0.000000e+00> : vector<2048x2048xf32>
    %dot_general3A_14 = tpu.matmul %convert_element_type3A_9, %get3A_12, %dot_general3A_13 {dimension_numbers = #tpu.dot_dimension_numbers<[1], [0], [0], [1], [0, 0, 1, 1], [], []>, transpose_lhs_hint = false} : vector<2048x128xbf16>, vector<128x2048xbf16>, vector<2048x2048xf32> -> vector<2048x2048xf32>
    %add3A = arith.addf %dot_general3A_5, %dot_general3A_14 : vector<2048x2048xf32>
    %get3A_15 = arith.constant 0 : index
    %get3A_16 = arith.constant 0 : index
    %get3A_17 = vector.load %arg3[%get3A_15, %get3A_16] : memref<2048x128xf32, #tpu.memory_space<vmem>>, vector<2048x128xf32>
    %convert_element_type3A_18 = arith.truncf %get3A_17 : vector<2048x128xf32> to vector<2048x128xbf16>
    %get3A_19 = arith.constant 0 : index
    %get3A_20 = arith.constant 0 : index
    %get3A_21 = vector.load %arg6[%get3A_19, %get3A_20] : memref<128x2048xbf16, #tpu.memory_space<vmem>>, vector<128x2048xbf16>
    %dot_general3A_22 = arith.constant dense<0.000000e+00> : vector<2048x2048xf32>
    %dot_general3A_23 = tpu.matmul %convert_element_type3A_18, %get3A_21, %dot_general3A_22 {dimension_numbers = #tpu.dot_dimension_numbers<[1], [0], [0], [1], [0, 0, 1, 1], [], []>, transpose_lhs_hint = false} : vector<2048x128xbf16>, vector<128x2048xbf16>, vector<2048x2048xf32> -> vector<2048x2048xf32>
    %add3A_24 = arith.addf %add3A, %dot_general3A_23 : vector<2048x2048xf32>
    %get3A_25 = arith.constant 0 : index
    %get3A_26 = arith.constant 0 : index
    %get3A_27 = vector.load %arg7[%get3A_25, %get3A_26] : memref<1x2048xf32, #tpu.memory_space<vmem>>, vector<1x2048xf32>
    %add3A_28 = vector.broadcast %get3A_27 : vector<1x2048xf32> to vector<2048x2048xf32>
    %add3A_29 = arith.addf %add3A_24, %add3A_28 : vector<2048x2048xf32>
    %convert_element_type3A_30 = arith.truncf %add3A_29 : vector<2048x2048xf32> to vector<2048x2048xbf16>
    %swap3A = arith.constant 0 : index
    %swap3A_31 = arith.constant 0 : index
    %swap3A_32 = vector.load %arg8[%swap3A, %swap3A_31] : memref<2048x2048xbf16, #tpu.memory_space<vmem>>, vector<2048x2048xbf16>
    tpu.vector_store %arg8[%swap3A, %swap3A_31], %convert_element_type3A_30 {strides = array<i32>} : memref<2048x2048xbf16, #tpu.memory_space<vmem>>, vector<2048x2048xbf16>,
    return
  }
  func.func @transform_0(%arg0: i32) -> (i32, i32) {
    %c0_i32 = arith.constant 0 : i32
    %c0_i32_0 = arith.constant 0 : i32
    return %arg0, %c0_i32 : i32, i32
  }
  func.func @transform_1(%arg0: i32) -> (i32, i32) {
    %c0_i32 = arith.constant 0 : i32
    %c0_i32_0 = arith.constant 0 : i32
    return %arg0, %c0_i32 : i32, i32
  }
  func.func @transform_2(%arg0: i32) -> (i32, i32) {
    %c0_i32 = arith.constant 0 : i32
    %c0_i32_0 = arith.constant 0 : i32
    return %arg0, %c0_i32 : i32, i32
  }
  func.func @transform_3(%arg0: i32) -> (i32, i32) {
    %c0_i32 = arith.constant 0 : i32
    %c0_i32_0 = arith.constant 0 : i32
    %c0_i32_1 = arith.constant 0 : i32
    return %c0_i32, %c0_i32_0 : i32, i32
  }
  func.func @transform_4(%arg0: i32) -> (i32, i32) {
    %c0_i32 = arith.constant 0 : i32
    %c0_i32_0 = arith.constant 0 : i32
    %c0_i32_1 = arith.constant 0 : i32
    return %c0_i32, %c0_i32_0 : i32, i32
  }
  func.func @transform_5(%arg0: i32) -> (i32, i32) {
    %c0_i32 = arith.constant 0 : i32
    %c0_i32_0 = arith.constant 0 : i32
    %c0_i32_1 = arith.constant 0 : i32
    return %c0_i32, %c0_i32_0 : i32, i32
  }
  func.func @transform_6(%arg0: i32) -> (i32, i32) {
    %c0_i32 = arith.constant 0 : i32
    %c0_i32_0 = arith.constant 0 : i32
    %c0_i32_1 = arith.constant 0 : i32
    return %c0_i32, %c0_i32_0 : i32, i32
  }
  func.func @transform_7(%arg0: i32) -> (i32, i32) {
    %c0_i32 = arith.constant 0 : i32
    %c0_i32_0 = arith.constant 0 : i32
    return %arg0, %c0_i32 : i32, i32
  }
}

module attributes {stable_mosaic.version = 14 : i64} {
  func.func @_rec_body(%arg0: i32, %arg1: memref<512x2048xbf16, #tpu.memory_space<vmem>>, %arg2: memref<512x2048xbf16, #tpu.memory_space<vmem>>, %arg3: memref<512x50xf32, #tpu.memory_space<vmem>>, %arg4: memref<1x50xf32, #tpu.memory_space<vmem>>, %arg5: memref<32x50xf32, #tpu.memory_space<vmem>>, %arg6: memref<32x512xf32, #tpu.memory_space<vmem>>, %arg7: memref<32x512xf32, #tpu.memory_space<vmem>>) attributes {dimension_semantics = [#tpu.dimension_semantics<arbitrary>], iteration_bounds = array<i64: 16>, scalar_prefetch = 0 : i64, scratch_operands = 2 : i64, tpu.core_type = #tpu.core_type<tc>, window_params = [{transform_indices = @transform_0, window_bounds = array<i64: 512, 2048>}, {pipeline_mode = #tpu.pipeline_mode<synchronous>, transform_indices = @transform_1, window_bounds = array<i64: 512, 2048>}, {pipeline_mode = #tpu.pipeline_mode<synchronous>, transform_indices = @transform_2, window_bounds = array<i64: 512, 50>}, {pipeline_mode = #tpu.pipeline_mode<synchronous>, transform_indices = @transform_3, window_bounds = array<i64: 1, 50>}, {pipeline_mode = #tpu.pipeline_mode<synchronous>, transform_indices = @transform_4, window_bounds = array<i64: 32, 50>}]} {
    %eq3A = arith.constant 0 : i32
    %eq3A_0 = arith.cmpi eq, %arg0, %eq3A : i32
    %convert_element_type3A = arith.extui %eq3A_0 : i1 to i32
    %cond3A = arith.constant 0 : i32
    %cond3A_1 = arith.cmpi ne, %convert_element_type3A, %cond3A : i32
    scf.if %cond3A_1 {
      %broadcast_in_dim3A = arith.constant 0.000000e+00 : f32
      %broadcast_in_dim3A_635 = vector.broadcast %broadcast_in_dim3A : f32 to vector<32x512xf32>
      %swap3A_636 = arith.constant 0 : index
      %swap3A_637 = arith.constant 0 : index
      %swap3A_638 = vector.load %arg6[%swap3A_636, %swap3A_637] : memref<32x512xf32, #tpu.memory_space<vmem>>, vector<32x512xf32>
      tpu.vector_store %arg6[%swap3A_636, %swap3A_637], %broadcast_in_dim3A_635 {strides = array<i32>} : memref<32x512xf32, #tpu.memory_space<vmem>>, vector<32x512xf32>,
      %broadcast_in_dim3A_639 = arith.constant 0.000000e+00 : f32
      %broadcast_in_dim3A_640 = vector.broadcast %broadcast_in_dim3A_639 : f32 to vector<32x512xf32>
      %swap3A_641 = arith.constant 0 : index
      %swap3A_642 = arith.constant 0 : index
      %swap3A_643 = vector.load %arg7[%swap3A_641, %swap3A_642] : memref<32x512xf32, #tpu.memory_space<vmem>>, vector<32x512xf32>
      tpu.vector_store %arg7[%swap3A_641, %swap3A_642], %broadcast_in_dim3A_640 {strides = array<i32>} : memref<32x512xf32, #tpu.memory_space<vmem>>, vector<32x512xf32>,
    } else {
    }
    %get3A = arith.constant 0 : index
    %get3A_2 = arith.constant 0 : index
    %get3A_3 = vector.load %arg6[%get3A, %get3A_2] : memref<32x512xf32, #tpu.memory_space<vmem>>, vector<32x512xf32>
    %get3A_4 = arith.constant 0 : index
    %get3A_5 = arith.constant 0 : index
    %get3A_6 = vector.load %arg7[%get3A_4, %get3A_5] : memref<32x512xf32, #tpu.memory_space<vmem>>, vector<32x512xf32>
    %get3A_7 = arith.constant 0 : index
    %get3A_8 = arith.constant 0 : index
    %get3A_9 = vector.load %arg1[%get3A_7, %get3A_8] : memref<512x2048xbf16, #tpu.memory_space<vmem>>, vector<32x2048xbf16>
    %convert_element_type3A_10 = arith.extf %get3A_9 : vector<32x2048xbf16> to vector<32x2048xf32>
    %convert_element_type3A_11 = arith.truncf %get3A_3 : vector<32x512xf32> to vector<32x512xbf16>
    %get3A_12 = arith.constant 0 : index
    %get3A_13 = arith.constant 0 : index
    %get3A_14 = vector.load %arg2[%get3A_12, %get3A_13] : memref<512x2048xbf16, #tpu.memory_space<vmem>>, vector<512x2048xbf16>
    %dot_general3A = arith.constant dense<0.000000e+00> : vector<32x2048xf32>
    %dot_general3A_15 = tpu.matmul %convert_element_type3A_11, %get3A_14, %dot_general3A {dimension_numbers = #tpu.dot_dimension_numbers<[1], [0], [0], [1], [0, 0, 1, 1], [], []>, transpose_lhs_hint = false} : vector<32x512xbf16>, vector<512x2048xbf16>, vector<32x2048xf32> -> vector<32x2048xf32>
    %add3A = arith.addf %convert_element_type3A_10, %dot_general3A_15 : vector<32x2048xf32>
    %slice3A = vector.extract_strided_slice %add3A {offsets = [0, 0], sizes = [32, 512], strides = [1, 1]} : vector<32x2048xf32> to vector<32x512xf32>
    %logistic3A = arith.negf %slice3A : vector<32x512xf32>
    %logistic3A_16 = math.exp %logistic3A : vector<32x512xf32>
    %logistic3A_17 = arith.constant 1.000000e+00 : f32
    %logistic3A_18 = vector.broadcast %logistic3A_17 : f32 to vector<32x512xf32>
    %logistic3A_19 = arith.addf %logistic3A_18, %logistic3A_16 : vector<32x512xf32>
    %logistic3A_20 = arith.divf %logistic3A_18, %logistic3A_19 : vector<32x512xf32>
    %slice3A_21 = vector.extract_strided_slice %add3A {offsets = [0, 512], sizes = [32, 512], strides = [1, 1]} : vector<32x2048xf32> to vector<32x512xf32>
    %logistic3A_22 = arith.negf %slice3A_21 : vector<32x512xf32>
    %logistic3A_23 = math.exp %logistic3A_22 : vector<32x512xf32>
    %logistic3A_24 = arith.constant 1.000000e+00 : f32
    %logistic3A_25 = vector.broadcast %logistic3A_24 : f32 to vector<32x512xf32>
    %logistic3A_26 = arith.addf %logistic3A_25, %logistic3A_23 : vector<32x512xf32>
    %logistic3A_27 = arith.divf %logistic3A_25, %logistic3A_26 : vector<32x512xf32>
    %slice3A_28 = vector.extract_strided_slice %add3A {offsets = [0, 1024], sizes = [32, 512], strides = [1, 1]} : vector<32x2048xf32> to vector<32x512xf32>
    %tanh3A = math.tanh %slice3A_28 : vector<32x512xf32>
    %slice3A_29 = vector.extract_strided_slice %add3A {offsets = [0, 1536], sizes = [32, 512], strides = [1, 1]} : vector<32x2048xf32> to vector<32x512xf32>
    %logistic3A_30 = arith.negf %slice3A_29 : vector<32x512xf32>
    %logistic3A_31 = math.exp %logistic3A_30 : vector<32x512xf32>
    %logistic3A_32 = arith.constant 1.000000e+00 : f32
    %logistic3A_33 = vector.broadcast %logistic3A_32 : f32 to vector<32x512xf32>
    %logistic3A_34 = arith.addf %logistic3A_33, %logistic3A_31 : vector<32x512xf32>
    %logistic3A_35 = arith.divf %logistic3A_33, %logistic3A_34 : vector<32x512xf32>
    %mul3A = arith.mulf %logistic3A_27, %get3A_6 : vector<32x512xf32>
    %mul3A_36 = arith.mulf %logistic3A_20, %tanh3A : vector<32x512xf32>
    %add3A_37 = arith.addf %mul3A, %mul3A_36 : vector<32x512xf32>
    %tanh3A_38 = math.tanh %add3A_37 : vector<32x512xf32>
    %mul3A_39 = arith.mulf %logistic3A_35, %tanh3A_38 : vector<32x512xf32>
    %get3A_40 = arith.constant 32 : index
    %get3A_41 = arith.constant 0 : index
    %get3A_42 = vector.load %arg1[%get3A_40, %get3A_41] : memref<512x2048xbf16, #tpu.memory_space<vmem>>, vector<32x2048xbf16>
    %convert_element_type3A_43 = arith.extf %get3A_42 : vector<32x2048xbf16> to vector<32x2048xf32>
    %convert_element_type3A_44 = arith.truncf %mul3A_39 : vector<32x512xf32> to vector<32x512xbf16>
    %get3A_45 = arith.constant 0 : index
    %get3A_46 = arith.constant 0 : index
    %get3A_47 = vector.load %arg2[%get3A_45, %get3A_46] : memref<512x2048xbf16, #tpu.memory_space<vmem>>, vector<512x2048xbf16>
    %dot_general3A_48 = arith.constant dense<0.000000e+00> : vector<32x2048xf32>
    %dot_general3A_49 = tpu.matmul %convert_element_type3A_44, %get3A_47, %dot_general3A_48 {dimension_numbers = #tpu.dot_dimension_numbers<[1], [0], [0], [1], [0, 0, 1, 1], [], []>, transpose_lhs_hint = false} : vector<32x512xbf16>, vector<512x2048xbf16>, vector<32x2048xf32> -> vector<32x2048xf32>
    %add3A_50 = arith.addf %convert_element_type3A_43, %dot_general3A_49 : vector<32x2048xf32>
    %slice3A_51 = vector.extract_strided_slice %add3A_50 {offsets = [0, 0], sizes = [32, 512], strides = [1, 1]} : vector<32x2048xf32> to vector<32x512xf32>
    %logistic3A_52 = arith.negf %slice3A_51 : vector<32x512xf32>
    %logistic3A_53 = math.exp %logistic3A_52 : vector<32x512xf32>
    %logistic3A_54 = arith.constant 1.000000e+00 : f32
    %logistic3A_55 = vector.broadcast %logistic3A_54 : f32 to vector<32x512xf32>
    %logistic3A_56 = arith.addf %logistic3A_55, %logistic3A_53 : vector<32x512xf32>
    %logistic3A_57 = arith.divf %logistic3A_55, %logistic3A_56 : vector<32x512xf32>
    %slice3A_58 = vector.extract_strided_slice %add3A_50 {offsets = [0, 512], sizes = [32, 512], strides = [1, 1]} : vector<32x2048xf32> to vector<32x512xf32>
    %logistic3A_59 = arith.negf %slice3A_58 : vector<32x512xf32>
    %logistic3A_60 = math.exp %logistic3A_59 : vector<32x512xf32>
    %logistic3A_61 = arith.constant 1.000000e+00 : f32
    %logistic3A_62 = vector.broadcast %logistic3A_61 : f32 to vector<32x512xf32>
    %logistic3A_63 = arith.addf %logistic3A_62, %logistic3A_60 : vector<32x512xf32>
    %logistic3A_64 = arith.divf %logistic3A_62, %logistic3A_63 : vector<32x512xf32>
    %slice3A_65 = vector.extract_strided_slice %add3A_50 {offsets = [0, 1024], sizes = [32, 512], strides = [1, 1]} : vector<32x2048xf32> to vector<32x512xf32>
    %tanh3A_66 = math.tanh %slice3A_65 : vector<32x512xf32>
    %slice3A_67 = vector.extract_strided_slice %add3A_50 {offsets = [0, 1536], sizes = [32, 512], strides = [1, 1]} : vector<32x2048xf32> to vector<32x512xf32>
    %logistic3A_68 = arith.negf %slice3A_67 : vector<32x512xf32>
    %logistic3A_69 = math.exp %logistic3A_68 : vector<32x512xf32>
    %logistic3A_70 = arith.constant 1.000000e+00 : f32
    %logistic3A_71 = vector.broadcast %logistic3A_70 : f32 to vector<32x512xf32>
    %logistic3A_72 = arith.addf %logistic3A_71, %logistic3A_69 : vector<32x512xf32>
    %logistic3A_73 = arith.divf %logistic3A_71, %logistic3A_72 : vector<32x512xf32>
    %mul3A_74 = arith.mulf %logistic3A_64, %add3A_37 : vector<32x512xf32>
    %mul3A_75 = arith.mulf %logistic3A_57, %tanh3A_66 : vector<32x512xf32>
    %add3A_76 = arith.addf %mul3A_74, %mul3A_75 : vector<32x512xf32>
    %tanh3A_77 = math.tanh %add3A_76 : vector<32x512xf32>
    %mul3A_78 = arith.mulf %logistic3A_73, %tanh3A_77 : vector<32x512xf32>
    %get3A_79 = arith.constant 64 : index
    %get3A_80 = arith.constant 0 : index
    %get3A_81 = vector.load %arg1[%get3A_79, %get3A_80] : memref<512x2048xbf16, #tpu.memory_space<vmem>>, vector<32x2048xbf16>
    %convert_element_type3A_82 = arith.extf %get3A_81 : vector<32x2048xbf16> to vector<32x2048xf32>
    %convert_element_type3A_83 = arith.truncf %mul3A_78 : vector<32x512xf32> to vector<32x512xbf16>
    %get3A_84 = arith.constant 0 : index
    %get3A_85 = arith.constant 0 : index
    %get3A_86 = vector.load %arg2[%get3A_84, %get3A_85] : memref<512x2048xbf16, #tpu.memory_space<vmem>>, vector<512x2048xbf16>
    %dot_general3A_87 = arith.constant dense<0.000000e+00> : vector<32x2048xf32>
    %dot_general3A_88 = tpu.matmul %convert_element_type3A_83, %get3A_86, %dot_general3A_87 {dimension_numbers = #tpu.dot_dimension_numbers<[1], [0], [0], [1], [0, 0, 1, 1], [], []>, transpose_lhs_hint = false} : vector<32x512xbf16>, vector<512x2048xbf16>, vector<32x2048xf32> -> vector<32x2048xf32>
    %add3A_89 = arith.addf %convert_element_type3A_82, %dot_general3A_88 : vector<32x2048xf32>
    %slice3A_90 = vector.extract_strided_slice %add3A_89 {offsets = [0, 0], sizes = [32, 512], strides = [1, 1]} : vector<32x2048xf32> to vector<32x512xf32>
    %logistic3A_91 = arith.negf %slice3A_90 : vector<32x512xf32>
    %logistic3A_92 = math.exp %logistic3A_91 : vector<32x512xf32>
    %logistic3A_93 = arith.constant 1.000000e+00 : f32
    %logistic3A_94 = vector.broadcast %logistic3A_93 : f32 to vector<32x512xf32>
    %logistic3A_95 = arith.addf %logistic3A_94, %logistic3A_92 : vector<32x512xf32>
    %logistic3A_96 = arith.divf %logistic3A_94, %logistic3A_95 : vector<32x512xf32>
    %slice3A_97 = vector.extract_strided_slice %add3A_89 {offsets = [0, 512], sizes = [32, 512], strides = [1, 1]} : vector<32x2048xf32> to vector<32x512xf32>
    %logistic3A_98 = arith.negf %slice3A_97 : vector<32x512xf32>
    %logistic3A_99 = math.exp %logistic3A_98 : vector<32x512xf32>
    %logistic3A_100 = arith.constant 1.000000e+00 : f32
    %logistic3A_101 = vector.broadcast %logistic3A_100 : f32 to vector<32x512xf32>
    %logistic3A_102 = arith.addf %logistic3A_101, %logistic3A_99 : vector<32x512xf32>
    %logistic3A_103 = arith.divf %logistic3A_101, %logistic3A_102 : vector<32x512xf32>
    %slice3A_104 = vector.extract_strided_slice %add3A_89 {offsets = [0, 1024], sizes = [32, 512], strides = [1, 1]} : vector<32x2048xf32> to vector<32x512xf32>
    %tanh3A_105 = math.tanh %slice3A_104 : vector<32x512xf32>
    %slice3A_106 = vector.extract_strided_slice %add3A_89 {offsets = [0, 1536], sizes = [32, 512], strides = [1, 1]} : vector<32x2048xf32> to vector<32x512xf32>
    %logistic3A_107 = arith.negf %slice3A_106 : vector<32x512xf32>
    %logistic3A_108 = math.exp %logistic3A_107 : vector<32x512xf32>
    %logistic3A_109 = arith.constant 1.000000e+00 : f32
    %logistic3A_110 = vector.broadcast %logistic3A_109 : f32 to vector<32x512xf32>
    %logistic3A_111 = arith.addf %logistic3A_110, %logistic3A_108 : vector<32x512xf32>
    %logistic3A_112 = arith.divf %logistic3A_110, %logistic3A_111 : vector<32x512xf32>
    %mul3A_113 = arith.mulf %logistic3A_103, %add3A_76 : vector<32x512xf32>
    %mul3A_114 = arith.mulf %logistic3A_96, %tanh3A_105 : vector<32x512xf32>
    %add3A_115 = arith.addf %mul3A_113, %mul3A_114 : vector<32x512xf32>
    %tanh3A_116 = math.tanh %add3A_115 : vector<32x512xf32>
    %mul3A_117 = arith.mulf %logistic3A_112, %tanh3A_116 : vector<32x512xf32>
    %get3A_118 = arith.constant 96 : index
    %get3A_119 = arith.constant 0 : index
    %get3A_120 = vector.load %arg1[%get3A_118, %get3A_119] : memref<512x2048xbf16, #tpu.memory_space<vmem>>, vector<32x2048xbf16>
    %convert_element_type3A_121 = arith.extf %get3A_120 : vector<32x2048xbf16> to vector<32x2048xf32>
    %convert_element_type3A_122 = arith.truncf %mul3A_117 : vector<32x512xf32> to vector<32x512xbf16>
    %get3A_123 = arith.constant 0 : index
    %get3A_124 = arith.constant 0 : index
    %get3A_125 = vector.load %arg2[%get3A_123, %get3A_124] : memref<512x2048xbf16, #tpu.memory_space<vmem>>, vector<512x2048xbf16>
    %dot_general3A_126 = arith.constant dense<0.000000e+00> : vector<32x2048xf32>
    %dot_general3A_127 = tpu.matmul %convert_element_type3A_122, %get3A_125, %dot_general3A_126 {dimension_numbers = #tpu.dot_dimension_numbers<[1], [0], [0], [1], [0, 0, 1, 1], [], []>, transpose_lhs_hint = false} : vector<32x512xbf16>, vector<512x2048xbf16>, vector<32x2048xf32> -> vector<32x2048xf32>
    %add3A_128 = arith.addf %convert_element_type3A_121, %dot_general3A_127 : vector<32x2048xf32>
    %slice3A_129 = vector.extract_strided_slice %add3A_128 {offsets = [0, 0], sizes = [32, 512], strides = [1, 1]} : vector<32x2048xf32> to vector<32x512xf32>
    %logistic3A_130 = arith.negf %slice3A_129 : vector<32x512xf32>
    %logistic3A_131 = math.exp %logistic3A_130 : vector<32x512xf32>
    %logistic3A_132 = arith.constant 1.000000e+00 : f32
    %logistic3A_133 = vector.broadcast %logistic3A_132 : f32 to vector<32x512xf32>
    %logistic3A_134 = arith.addf %logistic3A_133, %logistic3A_131 : vector<32x512xf32>
    %logistic3A_135 = arith.divf %logistic3A_133, %logistic3A_134 : vector<32x512xf32>
    %slice3A_136 = vector.extract_strided_slice %add3A_128 {offsets = [0, 512], sizes = [32, 512], strides = [1, 1]} : vector<32x2048xf32> to vector<32x512xf32>
    %logistic3A_137 = arith.negf %slice3A_136 : vector<32x512xf32>
    %logistic3A_138 = math.exp %logistic3A_137 : vector<32x512xf32>
    %logistic3A_139 = arith.constant 1.000000e+00 : f32
    %logistic3A_140 = vector.broadcast %logistic3A_139 : f32 to vector<32x512xf32>
    %logistic3A_141 = arith.addf %logistic3A_140, %logistic3A_138 : vector<32x512xf32>
    %logistic3A_142 = arith.divf %logistic3A_140, %logistic3A_141 : vector<32x512xf32>
    %slice3A_143 = vector.extract_strided_slice %add3A_128 {offsets = [0, 1024], sizes = [32, 512], strides = [1, 1]} : vector<32x2048xf32> to vector<32x512xf32>
    %tanh3A_144 = math.tanh %slice3A_143 : vector<32x512xf32>
    %slice3A_145 = vector.extract_strided_slice %add3A_128 {offsets = [0, 1536], sizes = [32, 512], strides = [1, 1]} : vector<32x2048xf32> to vector<32x512xf32>
    %logistic3A_146 = arith.negf %slice3A_145 : vector<32x512xf32>
    %logistic3A_147 = math.exp %logistic3A_146 : vector<32x512xf32>
    %logistic3A_148 = arith.constant 1.000000e+00 : f32
    %logistic3A_149 = vector.broadcast %logistic3A_148 : f32 to vector<32x512xf32>
    %logistic3A_150 = arith.addf %logistic3A_149, %logistic3A_147 : vector<32x512xf32>
    %logistic3A_151 = arith.divf %logistic3A_149, %logistic3A_150 : vector<32x512xf32>
    %mul3A_152 = arith.mulf %logistic3A_142, %add3A_115 : vector<32x512xf32>
    %mul3A_153 = arith.mulf %logistic3A_135, %tanh3A_144 : vector<32x512xf32>
    %add3A_154 = arith.addf %mul3A_152, %mul3A_153 : vector<32x512xf32>
    %tanh3A_155 = math.tanh %add3A_154 : vector<32x512xf32>
    %mul3A_156 = arith.mulf %logistic3A_151, %tanh3A_155 : vector<32x512xf32>
    %get3A_157 = arith.constant 128 : index
    %get3A_158 = arith.constant 0 : index
    %get3A_159 = vector.load %arg1[%get3A_157, %get3A_158] : memref<512x2048xbf16, #tpu.memory_space<vmem>>, vector<32x2048xbf16>
    %convert_element_type3A_160 = arith.extf %get3A_159 : vector<32x2048xbf16> to vector<32x2048xf32>
    %convert_element_type3A_161 = arith.truncf %mul3A_156 : vector<32x512xf32> to vector<32x512xbf16>
    %get3A_162 = arith.constant 0 : index
    %get3A_163 = arith.constant 0 : index
    %get3A_164 = vector.load %arg2[%get3A_162, %get3A_163] : memref<512x2048xbf16, #tpu.memory_space<vmem>>, vector<512x2048xbf16>
    %dot_general3A_165 = arith.constant dense<0.000000e+00> : vector<32x2048xf32>
    %dot_general3A_166 = tpu.matmul %convert_element_type3A_161, %get3A_164, %dot_general3A_165 {dimension_numbers = #tpu.dot_dimension_numbers<[1], [0], [0], [1], [0, 0, 1, 1], [], []>, transpose_lhs_hint = false} : vector<32x512xbf16>, vector<512x2048xbf16>, vector<32x2048xf32> -> vector<32x2048xf32>
    %add3A_167 = arith.addf %convert_element_type3A_160, %dot_general3A_166 : vector<32x2048xf32>
    %slice3A_168 = vector.extract_strided_slice %add3A_167 {offsets = [0, 0], sizes = [32, 512], strides = [1, 1]} : vector<32x2048xf32> to vector<32x512xf32>
    %logistic3A_169 = arith.negf %slice3A_168 : vector<32x512xf32>
    %logistic3A_170 = math.exp %logistic3A_169 : vector<32x512xf32>
    %logistic3A_171 = arith.constant 1.000000e+00 : f32
    %logistic3A_172 = vector.broadcast %logistic3A_171 : f32 to vector<32x512xf32>
    %logistic3A_173 = arith.addf %logistic3A_172, %logistic3A_170 : vector<32x512xf32>
    %logistic3A_174 = arith.divf %logistic3A_172, %logistic3A_173 : vector<32x512xf32>
    %slice3A_175 = vector.extract_strided_slice %add3A_167 {offsets = [0, 512], sizes = [32, 512], strides = [1, 1]} : vector<32x2048xf32> to vector<32x512xf32>
    %logistic3A_176 = arith.negf %slice3A_175 : vector<32x512xf32>
    %logistic3A_177 = math.exp %logistic3A_176 : vector<32x512xf32>
    %logistic3A_178 = arith.constant 1.000000e+00 : f32
    %logistic3A_179 = vector.broadcast %logistic3A_178 : f32 to vector<32x512xf32>
    %logistic3A_180 = arith.addf %logistic3A_179, %logistic3A_177 : vector<32x512xf32>
    %logistic3A_181 = arith.divf %logistic3A_179, %logistic3A_180 : vector<32x512xf32>
    %slice3A_182 = vector.extract_strided_slice %add3A_167 {offsets = [0, 1024], sizes = [32, 512], strides = [1, 1]} : vector<32x2048xf32> to vector<32x512xf32>
    %tanh3A_183 = math.tanh %slice3A_182 : vector<32x512xf32>
    %slice3A_184 = vector.extract_strided_slice %add3A_167 {offsets = [0, 1536], sizes = [32, 512], strides = [1, 1]} : vector<32x2048xf32> to vector<32x512xf32>
    %logistic3A_185 = arith.negf %slice3A_184 : vector<32x512xf32>
    %logistic3A_186 = math.exp %logistic3A_185 : vector<32x512xf32>
    %logistic3A_187 = arith.constant 1.000000e+00 : f32
    %logistic3A_188 = vector.broadcast %logistic3A_187 : f32 to vector<32x512xf32>
    %logistic3A_189 = arith.addf %logistic3A_188, %logistic3A_186 : vector<32x512xf32>
    %logistic3A_190 = arith.divf %logistic3A_188, %logistic3A_189 : vector<32x512xf32>
    %mul3A_191 = arith.mulf %logistic3A_181, %add3A_154 : vector<32x512xf32>
    %mul3A_192 = arith.mulf %logistic3A_174, %tanh3A_183 : vector<32x512xf32>
    %add3A_193 = arith.addf %mul3A_191, %mul3A_192 : vector<32x512xf32>
    %tanh3A_194 = math.tanh %add3A_193 : vector<32x512xf32>
    %mul3A_195 = arith.mulf %logistic3A_190, %tanh3A_194 : vector<32x512xf32>
    %get3A_196 = arith.constant 160 : index
    %get3A_197 = arith.constant 0 : index
    %get3A_198 = vector.load %arg1[%get3A_196, %get3A_197] : memref<512x2048xbf16, #tpu.memory_space<vmem>>, vector<32x2048xbf16>
    %convert_element_type3A_199 = arith.extf %get3A_198 : vector<32x2048xbf16> to vector<32x2048xf32>
    %convert_element_type3A_200 = arith.truncf %mul3A_195 : vector<32x512xf32> to vector<32x512xbf16>
    %get3A_201 = arith.constant 0 : index
    %get3A_202 = arith.constant 0 : index
    %get3A_203 = vector.load %arg2[%get3A_201, %get3A_202] : memref<512x2048xbf16, #tpu.memory_space<vmem>>, vector<512x2048xbf16>
    %dot_general3A_204 = arith.constant dense<0.000000e+00> : vector<32x2048xf32>
    %dot_general3A_205 = tpu.matmul %convert_element_type3A_200, %get3A_203, %dot_general3A_204 {dimension_numbers = #tpu.dot_dimension_numbers<[1], [0], [0], [1], [0, 0, 1, 1], [], []>, transpose_lhs_hint = false} : vector<32x512xbf16>, vector<512x2048xbf16>, vector<32x2048xf32> -> vector<32x2048xf32>
    %add3A_206 = arith.addf %convert_element_type3A_199, %dot_general3A_205 : vector<32x2048xf32>
    %slice3A_207 = vector.extract_strided_slice %add3A_206 {offsets = [0, 0], sizes = [32, 512], strides = [1, 1]} : vector<32x2048xf32> to vector<32x512xf32>
    %logistic3A_208 = arith.negf %slice3A_207 : vector<32x512xf32>
    %logistic3A_209 = math.exp %logistic3A_208 : vector<32x512xf32>
    %logistic3A_210 = arith.constant 1.000000e+00 : f32
    %logistic3A_211 = vector.broadcast %logistic3A_210 : f32 to vector<32x512xf32>
    %logistic3A_212 = arith.addf %logistic3A_211, %logistic3A_209 : vector<32x512xf32>
    %logistic3A_213 = arith.divf %logistic3A_211, %logistic3A_212 : vector<32x512xf32>
    %slice3A_214 = vector.extract_strided_slice %add3A_206 {offsets = [0, 512], sizes = [32, 512], strides = [1, 1]} : vector<32x2048xf32> to vector<32x512xf32>
    %logistic3A_215 = arith.negf %slice3A_214 : vector<32x512xf32>
    %logistic3A_216 = math.exp %logistic3A_215 : vector<32x512xf32>
    %logistic3A_217 = arith.constant 1.000000e+00 : f32
    %logistic3A_218 = vector.broadcast %logistic3A_217 : f32 to vector<32x512xf32>
    %logistic3A_219 = arith.addf %logistic3A_218, %logistic3A_216 : vector<32x512xf32>
    %logistic3A_220 = arith.divf %logistic3A_218, %logistic3A_219 : vector<32x512xf32>
    %slice3A_221 = vector.extract_strided_slice %add3A_206 {offsets = [0, 1024], sizes = [32, 512], strides = [1, 1]} : vector<32x2048xf32> to vector<32x512xf32>
    %tanh3A_222 = math.tanh %slice3A_221 : vector<32x512xf32>
    %slice3A_223 = vector.extract_strided_slice %add3A_206 {offsets = [0, 1536], sizes = [32, 512], strides = [1, 1]} : vector<32x2048xf32> to vector<32x512xf32>
    %logistic3A_224 = arith.negf %slice3A_223 : vector<32x512xf32>
    %logistic3A_225 = math.exp %logistic3A_224 : vector<32x512xf32>
    %logistic3A_226 = arith.constant 1.000000e+00 : f32
    %logistic3A_227 = vector.broadcast %logistic3A_226 : f32 to vector<32x512xf32>
    %logistic3A_228 = arith.addf %logistic3A_227, %logistic3A_225 : vector<32x512xf32>
    %logistic3A_229 = arith.divf %logistic3A_227, %logistic3A_228 : vector<32x512xf32>
    %mul3A_230 = arith.mulf %logistic3A_220, %add3A_193 : vector<32x512xf32>
    %mul3A_231 = arith.mulf %logistic3A_213, %tanh3A_222 : vector<32x512xf32>
    %add3A_232 = arith.addf %mul3A_230, %mul3A_231 : vector<32x512xf32>
    %tanh3A_233 = math.tanh %add3A_232 : vector<32x512xf32>
    %mul3A_234 = arith.mulf %logistic3A_229, %tanh3A_233 : vector<32x512xf32>
    %get3A_235 = arith.constant 192 : index
    %get3A_236 = arith.constant 0 : index
    %get3A_237 = vector.load %arg1[%get3A_235, %get3A_236] : memref<512x2048xbf16, #tpu.memory_space<vmem>>, vector<32x2048xbf16>
    %convert_element_type3A_238 = arith.extf %get3A_237 : vector<32x2048xbf16> to vector<32x2048xf32>
    %convert_element_type3A_239 = arith.truncf %mul3A_234 : vector<32x512xf32> to vector<32x512xbf16>
    %get3A_240 = arith.constant 0 : index
    %get3A_241 = arith.constant 0 : index
    %get3A_242 = vector.load %arg2[%get3A_240, %get3A_241] : memref<512x2048xbf16, #tpu.memory_space<vmem>>, vector<512x2048xbf16>
    %dot_general3A_243 = arith.constant dense<0.000000e+00> : vector<32x2048xf32>
    %dot_general3A_244 = tpu.matmul %convert_element_type3A_239, %get3A_242, %dot_general3A_243 {dimension_numbers = #tpu.dot_dimension_numbers<[1], [0], [0], [1], [0, 0, 1, 1], [], []>, transpose_lhs_hint = false} : vector<32x512xbf16>, vector<512x2048xbf16>, vector<32x2048xf32> -> vector<32x2048xf32>
    %add3A_245 = arith.addf %convert_element_type3A_238, %dot_general3A_244 : vector<32x2048xf32>
    %slice3A_246 = vector.extract_strided_slice %add3A_245 {offsets = [0, 0], sizes = [32, 512], strides = [1, 1]} : vector<32x2048xf32> to vector<32x512xf32>
    %logistic3A_247 = arith.negf %slice3A_246 : vector<32x512xf32>
    %logistic3A_248 = math.exp %logistic3A_247 : vector<32x512xf32>
    %logistic3A_249 = arith.constant 1.000000e+00 : f32
    %logistic3A_250 = vector.broadcast %logistic3A_249 : f32 to vector<32x512xf32>
    %logistic3A_251 = arith.addf %logistic3A_250, %logistic3A_248 : vector<32x512xf32>
    %logistic3A_252 = arith.divf %logistic3A_250, %logistic3A_251 : vector<32x512xf32>
    %slice3A_253 = vector.extract_strided_slice %add3A_245 {offsets = [0, 512], sizes = [32, 512], strides = [1, 1]} : vector<32x2048xf32> to vector<32x512xf32>
    %logistic3A_254 = arith.negf %slice3A_253 : vector<32x512xf32>
    %logistic3A_255 = math.exp %logistic3A_254 : vector<32x512xf32>
    %logistic3A_256 = arith.constant 1.000000e+00 : f32
    %logistic3A_257 = vector.broadcast %logistic3A_256 : f32 to vector<32x512xf32>
    %logistic3A_258 = arith.addf %logistic3A_257, %logistic3A_255 : vector<32x512xf32>
    %logistic3A_259 = arith.divf %logistic3A_257, %logistic3A_258 : vector<32x512xf32>
    %slice3A_260 = vector.extract_strided_slice %add3A_245 {offsets = [0, 1024], sizes = [32, 512], strides = [1, 1]} : vector<32x2048xf32> to vector<32x512xf32>
    %tanh3A_261 = math.tanh %slice3A_260 : vector<32x512xf32>
    %slice3A_262 = vector.extract_strided_slice %add3A_245 {offsets = [0, 1536], sizes = [32, 512], strides = [1, 1]} : vector<32x2048xf32> to vector<32x512xf32>
    %logistic3A_263 = arith.negf %slice3A_262 : vector<32x512xf32>
    %logistic3A_264 = math.exp %logistic3A_263 : vector<32x512xf32>
    %logistic3A_265 = arith.constant 1.000000e+00 : f32
    %logistic3A_266 = vector.broadcast %logistic3A_265 : f32 to vector<32x512xf32>
    %logistic3A_267 = arith.addf %logistic3A_266, %logistic3A_264 : vector<32x512xf32>
    %logistic3A_268 = arith.divf %logistic3A_266, %logistic3A_267 : vector<32x512xf32>
    %mul3A_269 = arith.mulf %logistic3A_259, %add3A_232 : vector<32x512xf32>
    %mul3A_270 = arith.mulf %logistic3A_252, %tanh3A_261 : vector<32x512xf32>
    %add3A_271 = arith.addf %mul3A_269, %mul3A_270 : vector<32x512xf32>
    %tanh3A_272 = math.tanh %add3A_271 : vector<32x512xf32>
    %mul3A_273 = arith.mulf %logistic3A_268, %tanh3A_272 : vector<32x512xf32>
    %get3A_274 = arith.constant 224 : index
    %get3A_275 = arith.constant 0 : index
    %get3A_276 = vector.load %arg1[%get3A_274, %get3A_275] : memref<512x2048xbf16, #tpu.memory_space<vmem>>, vector<32x2048xbf16>
    %convert_element_type3A_277 = arith.extf %get3A_276 : vector<32x2048xbf16> to vector<32x2048xf32>
    %convert_element_type3A_278 = arith.truncf %mul3A_273 : vector<32x512xf32> to vector<32x512xbf16>
    %get3A_279 = arith.constant 0 : index
    %get3A_280 = arith.constant 0 : index
    %get3A_281 = vector.load %arg2[%get3A_279, %get3A_280] : memref<512x2048xbf16, #tpu.memory_space<vmem>>, vector<512x2048xbf16>
    %dot_general3A_282 = arith.constant dense<0.000000e+00> : vector<32x2048xf32>
    %dot_general3A_283 = tpu.matmul %convert_element_type3A_278, %get3A_281, %dot_general3A_282 {dimension_numbers = #tpu.dot_dimension_numbers<[1], [0], [0], [1], [0, 0, 1, 1], [], []>, transpose_lhs_hint = false} : vector<32x512xbf16>, vector<512x2048xbf16>, vector<32x2048xf32> -> vector<32x2048xf32>
    %add3A_284 = arith.addf %convert_element_type3A_277, %dot_general3A_283 : vector<32x2048xf32>
    %slice3A_285 = vector.extract_strided_slice %add3A_284 {offsets = [0, 0], sizes = [32, 512], strides = [1, 1]} : vector<32x2048xf32> to vector<32x512xf32>
    %logistic3A_286 = arith.negf %slice3A_285 : vector<32x512xf32>
    %logistic3A_287 = math.exp %logistic3A_286 : vector<32x512xf32>
    %logistic3A_288 = arith.constant 1.000000e+00 : f32
    %logistic3A_289 = vector.broadcast %logistic3A_288 : f32 to vector<32x512xf32>
    %logistic3A_290 = arith.addf %logistic3A_289, %logistic3A_287 : vector<32x512xf32>
    %logistic3A_291 = arith.divf %logistic3A_289, %logistic3A_290 : vector<32x512xf32>
    %slice3A_292 = vector.extract_strided_slice %add3A_284 {offsets = [0, 512], sizes = [32, 512], strides = [1, 1]} : vector<32x2048xf32> to vector<32x512xf32>
    %logistic3A_293 = arith.negf %slice3A_292 : vector<32x512xf32>
    %logistic3A_294 = math.exp %logistic3A_293 : vector<32x512xf32>
    %logistic3A_295 = arith.constant 1.000000e+00 : f32
    %logistic3A_296 = vector.broadcast %logistic3A_295 : f32 to vector<32x512xf32>
    %logistic3A_297 = arith.addf %logistic3A_296, %logistic3A_294 : vector<32x512xf32>
    %logistic3A_298 = arith.divf %logistic3A_296, %logistic3A_297 : vector<32x512xf32>
    %slice3A_299 = vector.extract_strided_slice %add3A_284 {offsets = [0, 1024], sizes = [32, 512], strides = [1, 1]} : vector<32x2048xf32> to vector<32x512xf32>
    %tanh3A_300 = math.tanh %slice3A_299 : vector<32x512xf32>
    %slice3A_301 = vector.extract_strided_slice %add3A_284 {offsets = [0, 1536], sizes = [32, 512], strides = [1, 1]} : vector<32x2048xf32> to vector<32x512xf32>
    %logistic3A_302 = arith.negf %slice3A_301 : vector<32x512xf32>
    %logistic3A_303 = math.exp %logistic3A_302 : vector<32x512xf32>
    %logistic3A_304 = arith.constant 1.000000e+00 : f32
    %logistic3A_305 = vector.broadcast %logistic3A_304 : f32 to vector<32x512xf32>
    %logistic3A_306 = arith.addf %logistic3A_305, %logistic3A_303 : vector<32x512xf32>
    %logistic3A_307 = arith.divf %logistic3A_305, %logistic3A_306 : vector<32x512xf32>
    %mul3A_308 = arith.mulf %logistic3A_298, %add3A_271 : vector<32x512xf32>
    %mul3A_309 = arith.mulf %logistic3A_291, %tanh3A_300 : vector<32x512xf32>
    %add3A_310 = arith.addf %mul3A_308, %mul3A_309 : vector<32x512xf32>
    %tanh3A_311 = math.tanh %add3A_310 : vector<32x512xf32>
    %mul3A_312 = arith.mulf %logistic3A_307, %tanh3A_311 : vector<32x512xf32>
    %get3A_313 = arith.constant 256 : index
    %get3A_314 = arith.constant 0 : index
    %get3A_315 = vector.load %arg1[%get3A_313, %get3A_314] : memref<512x2048xbf16, #tpu.memory_space<vmem>>, vector<32x2048xbf16>
    %convert_element_type3A_316 = arith.extf %get3A_315 : vector<32x2048xbf16> to vector<32x2048xf32>
    %convert_element_type3A_317 = arith.truncf %mul3A_312 : vector<32x512xf32> to vector<32x512xbf16>
    %get3A_318 = arith.constant 0 : index
    %get3A_319 = arith.constant 0 : index
    %get3A_320 = vector.load %arg2[%get3A_318, %get3A_319] : memref<512x2048xbf16, #tpu.memory_space<vmem>>, vector<512x2048xbf16>
    %dot_general3A_321 = arith.constant dense<0.000000e+00> : vector<32x2048xf32>
    %dot_general3A_322 = tpu.matmul %convert_element_type3A_317, %get3A_320, %dot_general3A_321 {dimension_numbers = #tpu.dot_dimension_numbers<[1], [0], [0], [1], [0, 0, 1, 1], [], []>, transpose_lhs_hint = false} : vector<32x512xbf16>, vector<512x2048xbf16>, vector<32x2048xf32> -> vector<32x2048xf32>
    %add3A_323 = arith.addf %convert_element_type3A_316, %dot_general3A_322 : vector<32x2048xf32>
    %slice3A_324 = vector.extract_strided_slice %add3A_323 {offsets = [0, 0], sizes = [32, 512], strides = [1, 1]} : vector<32x2048xf32> to vector<32x512xf32>
    %logistic3A_325 = arith.negf %slice3A_324 : vector<32x512xf32>
    %logistic3A_326 = math.exp %logistic3A_325 : vector<32x512xf32>
    %logistic3A_327 = arith.constant 1.000000e+00 : f32
    %logistic3A_328 = vector.broadcast %logistic3A_327 : f32 to vector<32x512xf32>
    %logistic3A_329 = arith.addf %logistic3A_328, %logistic3A_326 : vector<32x512xf32>
    %logistic3A_330 = arith.divf %logistic3A_328, %logistic3A_329 : vector<32x512xf32>
    %slice3A_331 = vector.extract_strided_slice %add3A_323 {offsets = [0, 512], sizes = [32, 512], strides = [1, 1]} : vector<32x2048xf32> to vector<32x512xf32>
    %logistic3A_332 = arith.negf %slice3A_331 : vector<32x512xf32>
    %logistic3A_333 = math.exp %logistic3A_332 : vector<32x512xf32>
    %logistic3A_334 = arith.constant 1.000000e+00 : f32
    %logistic3A_335 = vector.broadcast %logistic3A_334 : f32 to vector<32x512xf32>
    %logistic3A_336 = arith.addf %logistic3A_335, %logistic3A_333 : vector<32x512xf32>
    %logistic3A_337 = arith.divf %logistic3A_335, %logistic3A_336 : vector<32x512xf32>
    %slice3A_338 = vector.extract_strided_slice %add3A_323 {offsets = [0, 1024], sizes = [32, 512], strides = [1, 1]} : vector<32x2048xf32> to vector<32x512xf32>
    %tanh3A_339 = math.tanh %slice3A_338 : vector<32x512xf32>
    %slice3A_340 = vector.extract_strided_slice %add3A_323 {offsets = [0, 1536], sizes = [32, 512], strides = [1, 1]} : vector<32x2048xf32> to vector<32x512xf32>
    %logistic3A_341 = arith.negf %slice3A_340 : vector<32x512xf32>
    %logistic3A_342 = math.exp %logistic3A_341 : vector<32x512xf32>
    %logistic3A_343 = arith.constant 1.000000e+00 : f32
    %logistic3A_344 = vector.broadcast %logistic3A_343 : f32 to vector<32x512xf32>
    %logistic3A_345 = arith.addf %logistic3A_344, %logistic3A_342 : vector<32x512xf32>
    %logistic3A_346 = arith.divf %logistic3A_344, %logistic3A_345 : vector<32x512xf32>
    %mul3A_347 = arith.mulf %logistic3A_337, %add3A_310 : vector<32x512xf32>
    %mul3A_348 = arith.mulf %logistic3A_330, %tanh3A_339 : vector<32x512xf32>
    %add3A_349 = arith.addf %mul3A_347, %mul3A_348 : vector<32x512xf32>
    %tanh3A_350 = math.tanh %add3A_349 : vector<32x512xf32>
    %mul3A_351 = arith.mulf %logistic3A_346, %tanh3A_350 : vector<32x512xf32>
    %get3A_352 = arith.constant 288 : index
    %get3A_353 = arith.constant 0 : index
    %get3A_354 = vector.load %arg1[%get3A_352, %get3A_353] : memref<512x2048xbf16, #tpu.memory_space<vmem>>, vector<32x2048xbf16>
    %convert_element_type3A_355 = arith.extf %get3A_354 : vector<32x2048xbf16> to vector<32x2048xf32>
    %convert_element_type3A_356 = arith.truncf %mul3A_351 : vector<32x512xf32> to vector<32x512xbf16>
    %get3A_357 = arith.constant 0 : index
    %get3A_358 = arith.constant 0 : index
    %get3A_359 = vector.load %arg2[%get3A_357, %get3A_358] : memref<512x2048xbf16, #tpu.memory_space<vmem>>, vector<512x2048xbf16>
    %dot_general3A_360 = arith.constant dense<0.000000e+00> : vector<32x2048xf32>
    %dot_general3A_361 = tpu.matmul %convert_element_type3A_356, %get3A_359, %dot_general3A_360 {dimension_numbers = #tpu.dot_dimension_numbers<[1], [0], [0], [1], [0, 0, 1, 1], [], []>, transpose_lhs_hint = false} : vector<32x512xbf16>, vector<512x2048xbf16>, vector<32x2048xf32> -> vector<32x2048xf32>
    %add3A_362 = arith.addf %convert_element_type3A_355, %dot_general3A_361 : vector<32x2048xf32>
    %slice3A_363 = vector.extract_strided_slice %add3A_362 {offsets = [0, 0], sizes = [32, 512], strides = [1, 1]} : vector<32x2048xf32> to vector<32x512xf32>
    %logistic3A_364 = arith.negf %slice3A_363 : vector<32x512xf32>
    %logistic3A_365 = math.exp %logistic3A_364 : vector<32x512xf32>
    %logistic3A_366 = arith.constant 1.000000e+00 : f32
    %logistic3A_367 = vector.broadcast %logistic3A_366 : f32 to vector<32x512xf32>
    %logistic3A_368 = arith.addf %logistic3A_367, %logistic3A_365 : vector<32x512xf32>
    %logistic3A_369 = arith.divf %logistic3A_367, %logistic3A_368 : vector<32x512xf32>
    %slice3A_370 = vector.extract_strided_slice %add3A_362 {offsets = [0, 512], sizes = [32, 512], strides = [1, 1]} : vector<32x2048xf32> to vector<32x512xf32>
    %logistic3A_371 = arith.negf %slice3A_370 : vector<32x512xf32>
    %logistic3A_372 = math.exp %logistic3A_371 : vector<32x512xf32>
    %logistic3A_373 = arith.constant 1.000000e+00 : f32
    %logistic3A_374 = vector.broadcast %logistic3A_373 : f32 to vector<32x512xf32>
    %logistic3A_375 = arith.addf %logistic3A_374, %logistic3A_372 : vector<32x512xf32>
    %logistic3A_376 = arith.divf %logistic3A_374, %logistic3A_375 : vector<32x512xf32>
    %slice3A_377 = vector.extract_strided_slice %add3A_362 {offsets = [0, 1024], sizes = [32, 512], strides = [1, 1]} : vector<32x2048xf32> to vector<32x512xf32>
    %tanh3A_378 = math.tanh %slice3A_377 : vector<32x512xf32>
    %slice3A_379 = vector.extract_strided_slice %add3A_362 {offsets = [0, 1536], sizes = [32, 512], strides = [1, 1]} : vector<32x2048xf32> to vector<32x512xf32>
    %logistic3A_380 = arith.negf %slice3A_379 : vector<32x512xf32>
    %logistic3A_381 = math.exp %logistic3A_380 : vector<32x512xf32>
    %logistic3A_382 = arith.constant 1.000000e+00 : f32
    %logistic3A_383 = vector.broadcast %logistic3A_382 : f32 to vector<32x512xf32>
    %logistic3A_384 = arith.addf %logistic3A_383, %logistic3A_381 : vector<32x512xf32>
    %logistic3A_385 = arith.divf %logistic3A_383, %logistic3A_384 : vector<32x512xf32>
    %mul3A_386 = arith.mulf %logistic3A_376, %add3A_349 : vector<32x512xf32>
    %mul3A_387 = arith.mulf %logistic3A_369, %tanh3A_378 : vector<32x512xf32>
    %add3A_388 = arith.addf %mul3A_386, %mul3A_387 : vector<32x512xf32>
    %tanh3A_389 = math.tanh %add3A_388 : vector<32x512xf32>
    %mul3A_390 = arith.mulf %logistic3A_385, %tanh3A_389 : vector<32x512xf32>
    %get3A_391 = arith.constant 320 : index
    %get3A_392 = arith.constant 0 : index
    %get3A_393 = vector.load %arg1[%get3A_391, %get3A_392] : memref<512x2048xbf16, #tpu.memory_space<vmem>>, vector<32x2048xbf16>
    %convert_element_type3A_394 = arith.extf %get3A_393 : vector<32x2048xbf16> to vector<32x2048xf32>
    %convert_element_type3A_395 = arith.truncf %mul3A_390 : vector<32x512xf32> to vector<32x512xbf16>
    %get3A_396 = arith.constant 0 : index
    %get3A_397 = arith.constant 0 : index
    %get3A_398 = vector.load %arg2[%get3A_396, %get3A_397] : memref<512x2048xbf16, #tpu.memory_space<vmem>>, vector<512x2048xbf16>
    %dot_general3A_399 = arith.constant dense<0.000000e+00> : vector<32x2048xf32>
    %dot_general3A_400 = tpu.matmul %convert_element_type3A_395, %get3A_398, %dot_general3A_399 {dimension_numbers = #tpu.dot_dimension_numbers<[1], [0], [0], [1], [0, 0, 1, 1], [], []>, transpose_lhs_hint = false} : vector<32x512xbf16>, vector<512x2048xbf16>, vector<32x2048xf32> -> vector<32x2048xf32>
    %add3A_401 = arith.addf %convert_element_type3A_394, %dot_general3A_400 : vector<32x2048xf32>
    %slice3A_402 = vector.extract_strided_slice %add3A_401 {offsets = [0, 0], sizes = [32, 512], strides = [1, 1]} : vector<32x2048xf32> to vector<32x512xf32>
    %logistic3A_403 = arith.negf %slice3A_402 : vector<32x512xf32>
    %logistic3A_404 = math.exp %logistic3A_403 : vector<32x512xf32>
    %logistic3A_405 = arith.constant 1.000000e+00 : f32
    %logistic3A_406 = vector.broadcast %logistic3A_405 : f32 to vector<32x512xf32>
    %logistic3A_407 = arith.addf %logistic3A_406, %logistic3A_404 : vector<32x512xf32>
    %logistic3A_408 = arith.divf %logistic3A_406, %logistic3A_407 : vector<32x512xf32>
    %slice3A_409 = vector.extract_strided_slice %add3A_401 {offsets = [0, 512], sizes = [32, 512], strides = [1, 1]} : vector<32x2048xf32> to vector<32x512xf32>
    %logistic3A_410 = arith.negf %slice3A_409 : vector<32x512xf32>
    %logistic3A_411 = math.exp %logistic3A_410 : vector<32x512xf32>
    %logistic3A_412 = arith.constant 1.000000e+00 : f32
    %logistic3A_413 = vector.broadcast %logistic3A_412 : f32 to vector<32x512xf32>
    %logistic3A_414 = arith.addf %logistic3A_413, %logistic3A_411 : vector<32x512xf32>
    %logistic3A_415 = arith.divf %logistic3A_413, %logistic3A_414 : vector<32x512xf32>
    %slice3A_416 = vector.extract_strided_slice %add3A_401 {offsets = [0, 1024], sizes = [32, 512], strides = [1, 1]} : vector<32x2048xf32> to vector<32x512xf32>
    %tanh3A_417 = math.tanh %slice3A_416 : vector<32x512xf32>
    %slice3A_418 = vector.extract_strided_slice %add3A_401 {offsets = [0, 1536], sizes = [32, 512], strides = [1, 1]} : vector<32x2048xf32> to vector<32x512xf32>
    %logistic3A_419 = arith.negf %slice3A_418 : vector<32x512xf32>
    %logistic3A_420 = math.exp %logistic3A_419 : vector<32x512xf32>
    %logistic3A_421 = arith.constant 1.000000e+00 : f32
    %logistic3A_422 = vector.broadcast %logistic3A_421 : f32 to vector<32x512xf32>
    %logistic3A_423 = arith.addf %logistic3A_422, %logistic3A_420 : vector<32x512xf32>
    %logistic3A_424 = arith.divf %logistic3A_422, %logistic3A_423 : vector<32x512xf32>
    %mul3A_425 = arith.mulf %logistic3A_415, %add3A_388 : vector<32x512xf32>
    %mul3A_426 = arith.mulf %logistic3A_408, %tanh3A_417 : vector<32x512xf32>
    %add3A_427 = arith.addf %mul3A_425, %mul3A_426 : vector<32x512xf32>
    %tanh3A_428 = math.tanh %add3A_427 : vector<32x512xf32>
    %mul3A_429 = arith.mulf %logistic3A_424, %tanh3A_428 : vector<32x512xf32>
    %get3A_430 = arith.constant 352 : index
    %get3A_431 = arith.constant 0 : index
    %get3A_432 = vector.load %arg1[%get3A_430, %get3A_431] : memref<512x2048xbf16, #tpu.memory_space<vmem>>, vector<32x2048xbf16>
    %convert_element_type3A_433 = arith.extf %get3A_432 : vector<32x2048xbf16> to vector<32x2048xf32>
    %convert_element_type3A_434 = arith.truncf %mul3A_429 : vector<32x512xf32> to vector<32x512xbf16>
    %get3A_435 = arith.constant 0 : index
    %get3A_436 = arith.constant 0 : index
    %get3A_437 = vector.load %arg2[%get3A_435, %get3A_436] : memref<512x2048xbf16, #tpu.memory_space<vmem>>, vector<512x2048xbf16>
    %dot_general3A_438 = arith.constant dense<0.000000e+00> : vector<32x2048xf32>
    %dot_general3A_439 = tpu.matmul %convert_element_type3A_434, %get3A_437, %dot_general3A_438 {dimension_numbers = #tpu.dot_dimension_numbers<[1], [0], [0], [1], [0, 0, 1, 1], [], []>, transpose_lhs_hint = false} : vector<32x512xbf16>, vector<512x2048xbf16>, vector<32x2048xf32> -> vector<32x2048xf32>
    %add3A_440 = arith.addf %convert_element_type3A_433, %dot_general3A_439 : vector<32x2048xf32>
    %slice3A_441 = vector.extract_strided_slice %add3A_440 {offsets = [0, 0], sizes = [32, 512], strides = [1, 1]} : vector<32x2048xf32> to vector<32x512xf32>
    %logistic3A_442 = arith.negf %slice3A_441 : vector<32x512xf32>
    %logistic3A_443 = math.exp %logistic3A_442 : vector<32x512xf32>
    %logistic3A_444 = arith.constant 1.000000e+00 : f32
    %logistic3A_445 = vector.broadcast %logistic3A_444 : f32 to vector<32x512xf32>
    %logistic3A_446 = arith.addf %logistic3A_445, %logistic3A_443 : vector<32x512xf32>
    %logistic3A_447 = arith.divf %logistic3A_445, %logistic3A_446 : vector<32x512xf32>
    %slice3A_448 = vector.extract_strided_slice %add3A_440 {offsets = [0, 512], sizes = [32, 512], strides = [1, 1]} : vector<32x2048xf32> to vector<32x512xf32>
    %logistic3A_449 = arith.negf %slice3A_448 : vector<32x512xf32>
    %logistic3A_450 = math.exp %logistic3A_449 : vector<32x512xf32>
    %logistic3A_451 = arith.constant 1.000000e+00 : f32
    %logistic3A_452 = vector.broadcast %logistic3A_451 : f32 to vector<32x512xf32>
    %logistic3A_453 = arith.addf %logistic3A_452, %logistic3A_450 : vector<32x512xf32>
    %logistic3A_454 = arith.divf %logistic3A_452, %logistic3A_453 : vector<32x512xf32>
    %slice3A_455 = vector.extract_strided_slice %add3A_440 {offsets = [0, 1024], sizes = [32, 512], strides = [1, 1]} : vector<32x2048xf32> to vector<32x512xf32>
    %tanh3A_456 = math.tanh %slice3A_455 : vector<32x512xf32>
    %slice3A_457 = vector.extract_strided_slice %add3A_440 {offsets = [0, 1536], sizes = [32, 512], strides = [1, 1]} : vector<32x2048xf32> to vector<32x512xf32>
    %logistic3A_458 = arith.negf %slice3A_457 : vector<32x512xf32>
    %logistic3A_459 = math.exp %logistic3A_458 : vector<32x512xf32>
    %logistic3A_460 = arith.constant 1.000000e+00 : f32
    %logistic3A_461 = vector.broadcast %logistic3A_460 : f32 to vector<32x512xf32>
    %logistic3A_462 = arith.addf %logistic3A_461, %logistic3A_459 : vector<32x512xf32>
    %logistic3A_463 = arith.divf %logistic3A_461, %logistic3A_462 : vector<32x512xf32>
    %mul3A_464 = arith.mulf %logistic3A_454, %add3A_427 : vector<32x512xf32>
    %mul3A_465 = arith.mulf %logistic3A_447, %tanh3A_456 : vector<32x512xf32>
    %add3A_466 = arith.addf %mul3A_464, %mul3A_465 : vector<32x512xf32>
    %tanh3A_467 = math.tanh %add3A_466 : vector<32x512xf32>
    %mul3A_468 = arith.mulf %logistic3A_463, %tanh3A_467 : vector<32x512xf32>
    %get3A_469 = arith.constant 384 : index
    %get3A_470 = arith.constant 0 : index
    %get3A_471 = vector.load %arg1[%get3A_469, %get3A_470] : memref<512x2048xbf16, #tpu.memory_space<vmem>>, vector<32x2048xbf16>
    %convert_element_type3A_472 = arith.extf %get3A_471 : vector<32x2048xbf16> to vector<32x2048xf32>
    %convert_element_type3A_473 = arith.truncf %mul3A_468 : vector<32x512xf32> to vector<32x512xbf16>
    %get3A_474 = arith.constant 0 : index
    %get3A_475 = arith.constant 0 : index
    %get3A_476 = vector.load %arg2[%get3A_474, %get3A_475] : memref<512x2048xbf16, #tpu.memory_space<vmem>>, vector<512x2048xbf16>
    %dot_general3A_477 = arith.constant dense<0.000000e+00> : vector<32x2048xf32>
    %dot_general3A_478 = tpu.matmul %convert_element_type3A_473, %get3A_476, %dot_general3A_477 {dimension_numbers = #tpu.dot_dimension_numbers<[1], [0], [0], [1], [0, 0, 1, 1], [], []>, transpose_lhs_hint = false} : vector<32x512xbf16>, vector<512x2048xbf16>, vector<32x2048xf32> -> vector<32x2048xf32>
    %add3A_479 = arith.addf %convert_element_type3A_472, %dot_general3A_478 : vector<32x2048xf32>
    %slice3A_480 = vector.extract_strided_slice %add3A_479 {offsets = [0, 0], sizes = [32, 512], strides = [1, 1]} : vector<32x2048xf32> to vector<32x512xf32>
    %logistic3A_481 = arith.negf %slice3A_480 : vector<32x512xf32>
    %logistic3A_482 = math.exp %logistic3A_481 : vector<32x512xf32>
    %logistic3A_483 = arith.constant 1.000000e+00 : f32
    %logistic3A_484 = vector.broadcast %logistic3A_483 : f32 to vector<32x512xf32>
    %logistic3A_485 = arith.addf %logistic3A_484, %logistic3A_482 : vector<32x512xf32>
    %logistic3A_486 = arith.divf %logistic3A_484, %logistic3A_485 : vector<32x512xf32>
    %slice3A_487 = vector.extract_strided_slice %add3A_479 {offsets = [0, 512], sizes = [32, 512], strides = [1, 1]} : vector<32x2048xf32> to vector<32x512xf32>
    %logistic3A_488 = arith.negf %slice3A_487 : vector<32x512xf32>
    %logistic3A_489 = math.exp %logistic3A_488 : vector<32x512xf32>
    %logistic3A_490 = arith.constant 1.000000e+00 : f32
    %logistic3A_491 = vector.broadcast %logistic3A_490 : f32 to vector<32x512xf32>
    %logistic3A_492 = arith.addf %logistic3A_491, %logistic3A_489 : vector<32x512xf32>
    %logistic3A_493 = arith.divf %logistic3A_491, %logistic3A_492 : vector<32x512xf32>
    %slice3A_494 = vector.extract_strided_slice %add3A_479 {offsets = [0, 1024], sizes = [32, 512], strides = [1, 1]} : vector<32x2048xf32> to vector<32x512xf32>
    %tanh3A_495 = math.tanh %slice3A_494 : vector<32x512xf32>
    %slice3A_496 = vector.extract_strided_slice %add3A_479 {offsets = [0, 1536], sizes = [32, 512], strides = [1, 1]} : vector<32x2048xf32> to vector<32x512xf32>
    %logistic3A_497 = arith.negf %slice3A_496 : vector<32x512xf32>
    %logistic3A_498 = math.exp %logistic3A_497 : vector<32x512xf32>
    %logistic3A_499 = arith.constant 1.000000e+00 : f32
    %logistic3A_500 = vector.broadcast %logistic3A_499 : f32 to vector<32x512xf32>
    %logistic3A_501 = arith.addf %logistic3A_500, %logistic3A_498 : vector<32x512xf32>
    %logistic3A_502 = arith.divf %logistic3A_500, %logistic3A_501 : vector<32x512xf32>
    %mul3A_503 = arith.mulf %logistic3A_493, %add3A_466 : vector<32x512xf32>
    %mul3A_504 = arith.mulf %logistic3A_486, %tanh3A_495 : vector<32x512xf32>
    %add3A_505 = arith.addf %mul3A_503, %mul3A_504 : vector<32x512xf32>
    %tanh3A_506 = math.tanh %add3A_505 : vector<32x512xf32>
    %mul3A_507 = arith.mulf %logistic3A_502, %tanh3A_506 : vector<32x512xf32>
    %get3A_508 = arith.constant 416 : index
    %get3A_509 = arith.constant 0 : index
    %get3A_510 = vector.load %arg1[%get3A_508, %get3A_509] : memref<512x2048xbf16, #tpu.memory_space<vmem>>, vector<32x2048xbf16>
    %convert_element_type3A_511 = arith.extf %get3A_510 : vector<32x2048xbf16> to vector<32x2048xf32>
    %convert_element_type3A_512 = arith.truncf %mul3A_507 : vector<32x512xf32> to vector<32x512xbf16>
    %get3A_513 = arith.constant 0 : index
    %get3A_514 = arith.constant 0 : index
    %get3A_515 = vector.load %arg2[%get3A_513, %get3A_514] : memref<512x2048xbf16, #tpu.memory_space<vmem>>, vector<512x2048xbf16>
    %dot_general3A_516 = arith.constant dense<0.000000e+00> : vector<32x2048xf32>
    %dot_general3A_517 = tpu.matmul %convert_element_type3A_512, %get3A_515, %dot_general3A_516 {dimension_numbers = #tpu.dot_dimension_numbers<[1], [0], [0], [1], [0, 0, 1, 1], [], []>, transpose_lhs_hint = false} : vector<32x512xbf16>, vector<512x2048xbf16>, vector<32x2048xf32> -> vector<32x2048xf32>
    %add3A_518 = arith.addf %convert_element_type3A_511, %dot_general3A_517 : vector<32x2048xf32>
    %slice3A_519 = vector.extract_strided_slice %add3A_518 {offsets = [0, 0], sizes = [32, 512], strides = [1, 1]} : vector<32x2048xf32> to vector<32x512xf32>
    %logistic3A_520 = arith.negf %slice3A_519 : vector<32x512xf32>
    %logistic3A_521 = math.exp %logistic3A_520 : vector<32x512xf32>
    %logistic3A_522 = arith.constant 1.000000e+00 : f32
    %logistic3A_523 = vector.broadcast %logistic3A_522 : f32 to vector<32x512xf32>
    %logistic3A_524 = arith.addf %logistic3A_523, %logistic3A_521 : vector<32x512xf32>
    %logistic3A_525 = arith.divf %logistic3A_523, %logistic3A_524 : vector<32x512xf32>
    %slice3A_526 = vector.extract_strided_slice %add3A_518 {offsets = [0, 512], sizes = [32, 512], strides = [1, 1]} : vector<32x2048xf32> to vector<32x512xf32>
    %logistic3A_527 = arith.negf %slice3A_526 : vector<32x512xf32>
    %logistic3A_528 = math.exp %logistic3A_527 : vector<32x512xf32>
    %logistic3A_529 = arith.constant 1.000000e+00 : f32
    %logistic3A_530 = vector.broadcast %logistic3A_529 : f32 to vector<32x512xf32>
    %logistic3A_531 = arith.addf %logistic3A_530, %logistic3A_528 : vector<32x512xf32>
    %logistic3A_532 = arith.divf %logistic3A_530, %logistic3A_531 : vector<32x512xf32>
    %slice3A_533 = vector.extract_strided_slice %add3A_518 {offsets = [0, 1024], sizes = [32, 512], strides = [1, 1]} : vector<32x2048xf32> to vector<32x512xf32>
    %tanh3A_534 = math.tanh %slice3A_533 : vector<32x512xf32>
    %slice3A_535 = vector.extract_strided_slice %add3A_518 {offsets = [0, 1536], sizes = [32, 512], strides = [1, 1]} : vector<32x2048xf32> to vector<32x512xf32>
    %logistic3A_536 = arith.negf %slice3A_535 : vector<32x512xf32>
    %logistic3A_537 = math.exp %logistic3A_536 : vector<32x512xf32>
    %logistic3A_538 = arith.constant 1.000000e+00 : f32
    %logistic3A_539 = vector.broadcast %logistic3A_538 : f32 to vector<32x512xf32>
    %logistic3A_540 = arith.addf %logistic3A_539, %logistic3A_537 : vector<32x512xf32>
    %logistic3A_541 = arith.divf %logistic3A_539, %logistic3A_540 : vector<32x512xf32>
    %mul3A_542 = arith.mulf %logistic3A_532, %add3A_505 : vector<32x512xf32>
    %mul3A_543 = arith.mulf %logistic3A_525, %tanh3A_534 : vector<32x512xf32>
    %add3A_544 = arith.addf %mul3A_542, %mul3A_543 : vector<32x512xf32>
    %tanh3A_545 = math.tanh %add3A_544 : vector<32x512xf32>
    %mul3A_546 = arith.mulf %logistic3A_541, %tanh3A_545 : vector<32x512xf32>
    %get3A_547 = arith.constant 448 : index
    %get3A_548 = arith.constant 0 : index
    %get3A_549 = vector.load %arg1[%get3A_547, %get3A_548] : memref<512x2048xbf16, #tpu.memory_space<vmem>>, vector<32x2048xbf16>
    %convert_element_type3A_550 = arith.extf %get3A_549 : vector<32x2048xbf16> to vector<32x2048xf32>
    %convert_element_type3A_551 = arith.truncf %mul3A_546 : vector<32x512xf32> to vector<32x512xbf16>
    %get3A_552 = arith.constant 0 : index
    %get3A_553 = arith.constant 0 : index
    %get3A_554 = vector.load %arg2[%get3A_552, %get3A_553] : memref<512x2048xbf16, #tpu.memory_space<vmem>>, vector<512x2048xbf16>
    %dot_general3A_555 = arith.constant dense<0.000000e+00> : vector<32x2048xf32>
    %dot_general3A_556 = tpu.matmul %convert_element_type3A_551, %get3A_554, %dot_general3A_555 {dimension_numbers = #tpu.dot_dimension_numbers<[1], [0], [0], [1], [0, 0, 1, 1], [], []>, transpose_lhs_hint = false} : vector<32x512xbf16>, vector<512x2048xbf16>, vector<32x2048xf32> -> vector<32x2048xf32>
    %add3A_557 = arith.addf %convert_element_type3A_550, %dot_general3A_556 : vector<32x2048xf32>
    %slice3A_558 = vector.extract_strided_slice %add3A_557 {offsets = [0, 0], sizes = [32, 512], strides = [1, 1]} : vector<32x2048xf32> to vector<32x512xf32>
    %logistic3A_559 = arith.negf %slice3A_558 : vector<32x512xf32>
    %logistic3A_560 = math.exp %logistic3A_559 : vector<32x512xf32>
    %logistic3A_561 = arith.constant 1.000000e+00 : f32
    %logistic3A_562 = vector.broadcast %logistic3A_561 : f32 to vector<32x512xf32>
    %logistic3A_563 = arith.addf %logistic3A_562, %logistic3A_560 : vector<32x512xf32>
    %logistic3A_564 = arith.divf %logistic3A_562, %logistic3A_563 : vector<32x512xf32>
    %slice3A_565 = vector.extract_strided_slice %add3A_557 {offsets = [0, 512], sizes = [32, 512], strides = [1, 1]} : vector<32x2048xf32> to vector<32x512xf32>
    %logistic3A_566 = arith.negf %slice3A_565 : vector<32x512xf32>
    %logistic3A_567 = math.exp %logistic3A_566 : vector<32x512xf32>
    %logistic3A_568 = arith.constant 1.000000e+00 : f32
    %logistic3A_569 = vector.broadcast %logistic3A_568 : f32 to vector<32x512xf32>
    %logistic3A_570 = arith.addf %logistic3A_569, %logistic3A_567 : vector<32x512xf32>
    %logistic3A_571 = arith.divf %logistic3A_569, %logistic3A_570 : vector<32x512xf32>
    %slice3A_572 = vector.extract_strided_slice %add3A_557 {offsets = [0, 1024], sizes = [32, 512], strides = [1, 1]} : vector<32x2048xf32> to vector<32x512xf32>
    %tanh3A_573 = math.tanh %slice3A_572 : vector<32x512xf32>
    %slice3A_574 = vector.extract_strided_slice %add3A_557 {offsets = [0, 1536], sizes = [32, 512], strides = [1, 1]} : vector<32x2048xf32> to vector<32x512xf32>
    %logistic3A_575 = arith.negf %slice3A_574 : vector<32x512xf32>
    %logistic3A_576 = math.exp %logistic3A_575 : vector<32x512xf32>
    %logistic3A_577 = arith.constant 1.000000e+00 : f32
    %logistic3A_578 = vector.broadcast %logistic3A_577 : f32 to vector<32x512xf32>
    %logistic3A_579 = arith.addf %logistic3A_578, %logistic3A_576 : vector<32x512xf32>
    %logistic3A_580 = arith.divf %logistic3A_578, %logistic3A_579 : vector<32x512xf32>
    %mul3A_581 = arith.mulf %logistic3A_571, %add3A_544 : vector<32x512xf32>
    %mul3A_582 = arith.mulf %logistic3A_564, %tanh3A_573 : vector<32x512xf32>
    %add3A_583 = arith.addf %mul3A_581, %mul3A_582 : vector<32x512xf32>
    %tanh3A_584 = math.tanh %add3A_583 : vector<32x512xf32>
    %mul3A_585 = arith.mulf %logistic3A_580, %tanh3A_584 : vector<32x512xf32>
    %get3A_586 = arith.constant 480 : index
    %get3A_587 = arith.constant 0 : index
    %get3A_588 = vector.load %arg1[%get3A_586, %get3A_587] : memref<512x2048xbf16, #tpu.memory_space<vmem>>, vector<32x2048xbf16>
    %convert_element_type3A_589 = arith.extf %get3A_588 : vector<32x2048xbf16> to vector<32x2048xf32>
    %convert_element_type3A_590 = arith.truncf %mul3A_585 : vector<32x512xf32> to vector<32x512xbf16>
    %get3A_591 = arith.constant 0 : index
    %get3A_592 = arith.constant 0 : index
    %get3A_593 = vector.load %arg2[%get3A_591, %get3A_592] : memref<512x2048xbf16, #tpu.memory_space<vmem>>, vector<512x2048xbf16>
    %dot_general3A_594 = arith.constant dense<0.000000e+00> : vector<32x2048xf32>
    %dot_general3A_595 = tpu.matmul %convert_element_type3A_590, %get3A_593, %dot_general3A_594 {dimension_numbers = #tpu.dot_dimension_numbers<[1], [0], [0], [1], [0, 0, 1, 1], [], []>, transpose_lhs_hint = false} : vector<32x512xbf16>, vector<512x2048xbf16>, vector<32x2048xf32> -> vector<32x2048xf32>
    %add3A_596 = arith.addf %convert_element_type3A_589, %dot_general3A_595 : vector<32x2048xf32>
    %slice3A_597 = vector.extract_strided_slice %add3A_596 {offsets = [0, 0], sizes = [32, 512], strides = [1, 1]} : vector<32x2048xf32> to vector<32x512xf32>
    %logistic3A_598 = arith.negf %slice3A_597 : vector<32x512xf32>
    %logistic3A_599 = math.exp %logistic3A_598 : vector<32x512xf32>
    %logistic3A_600 = arith.constant 1.000000e+00 : f32
    %logistic3A_601 = vector.broadcast %logistic3A_600 : f32 to vector<32x512xf32>
    %logistic3A_602 = arith.addf %logistic3A_601, %logistic3A_599 : vector<32x512xf32>
    %logistic3A_603 = arith.divf %logistic3A_601, %logistic3A_602 : vector<32x512xf32>
    %slice3A_604 = vector.extract_strided_slice %add3A_596 {offsets = [0, 512], sizes = [32, 512], strides = [1, 1]} : vector<32x2048xf32> to vector<32x512xf32>
    %logistic3A_605 = arith.negf %slice3A_604 : vector<32x512xf32>
    %logistic3A_606 = math.exp %logistic3A_605 : vector<32x512xf32>
    %logistic3A_607 = arith.constant 1.000000e+00 : f32
    %logistic3A_608 = vector.broadcast %logistic3A_607 : f32 to vector<32x512xf32>
    %logistic3A_609 = arith.addf %logistic3A_608, %logistic3A_606 : vector<32x512xf32>
    %logistic3A_610 = arith.divf %logistic3A_608, %logistic3A_609 : vector<32x512xf32>
    %slice3A_611 = vector.extract_strided_slice %add3A_596 {offsets = [0, 1024], sizes = [32, 512], strides = [1, 1]} : vector<32x2048xf32> to vector<32x512xf32>
    %tanh3A_612 = math.tanh %slice3A_611 : vector<32x512xf32>
    %slice3A_613 = vector.extract_strided_slice %add3A_596 {offsets = [0, 1536], sizes = [32, 512], strides = [1, 1]} : vector<32x2048xf32> to vector<32x512xf32>
    %logistic3A_614 = arith.negf %slice3A_613 : vector<32x512xf32>
    %logistic3A_615 = math.exp %logistic3A_614 : vector<32x512xf32>
    %logistic3A_616 = arith.constant 1.000000e+00 : f32
    %logistic3A_617 = vector.broadcast %logistic3A_616 : f32 to vector<32x512xf32>
    %logistic3A_618 = arith.addf %logistic3A_617, %logistic3A_615 : vector<32x512xf32>
    %logistic3A_619 = arith.divf %logistic3A_617, %logistic3A_618 : vector<32x512xf32>
    %mul3A_620 = arith.mulf %logistic3A_610, %add3A_583 : vector<32x512xf32>
    %mul3A_621 = arith.mulf %logistic3A_603, %tanh3A_612 : vector<32x512xf32>
    %add3A_622 = arith.addf %mul3A_620, %mul3A_621 : vector<32x512xf32>
    %tanh3A_623 = math.tanh %add3A_622 : vector<32x512xf32>
    %mul3A_624 = arith.mulf %logistic3A_619, %tanh3A_623 : vector<32x512xf32>
    %swap3A = arith.constant 0 : index
    %swap3A_625 = arith.constant 0 : index
    %swap3A_626 = vector.load %arg7[%swap3A, %swap3A_625] : memref<32x512xf32, #tpu.memory_space<vmem>>, vector<32x512xf32>
    tpu.vector_store %arg7[%swap3A, %swap3A_625], %add3A_622 {strides = array<i32>} : memref<32x512xf32, #tpu.memory_space<vmem>>, vector<32x512xf32>,
    %swap3A_627 = arith.constant 0 : index
    %swap3A_628 = arith.constant 0 : index
    %swap3A_629 = vector.load %arg6[%swap3A_627, %swap3A_628] : memref<32x512xf32, #tpu.memory_space<vmem>>, vector<32x512xf32>
    tpu.vector_store %arg6[%swap3A_627, %swap3A_628], %mul3A_624 {strides = array<i32>} : memref<32x512xf32, #tpu.memory_space<vmem>>, vector<32x512xf32>,
    %eq3A_630 = arith.constant 15 : i32
    %eq3A_631 = arith.cmpi eq, %arg0, %eq3A_630 : i32
    %convert_element_type3A_632 = arith.extui %eq3A_631 : i1 to i32
    %cond3A_633 = arith.constant 0 : i32
    %cond3A_634 = arith.cmpi ne, %convert_element_type3A_632, %cond3A_633 : i32
    scf.if %cond3A_634 {
      %get3A_635 = arith.constant 0 : index
      %get3A_636 = arith.constant 0 : index
      %get3A_637 = vector.load %arg3[%get3A_635, %get3A_636] : memref<512x50xf32, #tpu.memory_space<vmem>>, vector<512x50xf32>
      %dot_general3A_638 = arith.constant dense<0.000000e+00> : vector<32x50xf32>
      %dot_general3A_639 = tpu.matmul %mul3A_624, %get3A_637, %dot_general3A_638 {dimension_numbers = #tpu.dot_dimension_numbers<[1], [0], [0], [1], [0, 0, 1, 1], [], []>, transpose_lhs_hint = false} : vector<32x512xf32>, vector<512x50xf32>, vector<32x50xf32> -> vector<32x50xf32>
      %get3A_640 = arith.constant 0 : index
      %get3A_641 = arith.constant 0 : index
      %get3A_642 = vector.load %arg4[%get3A_640, %get3A_641] : memref<1x50xf32, #tpu.memory_space<vmem>>, vector<1x50xf32>
      %add3A_643 = vector.broadcast %get3A_642 : vector<1x50xf32> to vector<32x50xf32>
      %add3A_644 = arith.addf %dot_general3A_639, %add3A_643 : vector<32x50xf32>
      %swap3A_645 = arith.constant 0 : index
      %swap3A_646 = arith.constant 0 : index
      %swap3A_647 = vector.load %arg5[%swap3A_645, %swap3A_646] : memref<32x50xf32, #tpu.memory_space<vmem>>, vector<32x50xf32>
      tpu.vector_store %arg5[%swap3A_645, %swap3A_646], %add3A_644 {strides = array<i32>} : memref<32x50xf32, #tpu.memory_space<vmem>>, vector<32x50xf32>,
    } else {
    }
    return
  }
  func.func @transform_0(%arg0: i32) -> (i32, i32) {
    %c0_i32 = arith.constant 0 : i32
    %c0_i32_0 = arith.constant 0 : i32
    return %arg0, %c0_i32 : i32, i32
  }
  func.func @transform_1(%arg0: i32) -> (i32, i32) {
    %c0_i32 = arith.constant 0 : i32
    %c0_i32_0 = arith.constant 0 : i32
    %c0_i32_1 = arith.constant 0 : i32
    return %c0_i32, %c0_i32_0 : i32, i32
  }
  func.func @transform_2(%arg0: i32) -> (i32, i32) {
    %c0_i32 = arith.constant 0 : i32
    %c0_i32_0 = arith.constant 0 : i32
    %c0_i32_1 = arith.constant 0 : i32
    return %c0_i32, %c0_i32_0 : i32, i32
  }
  func.func @transform_3(%arg0: i32) -> (i32, i32) {
    %c0_i32 = arith.constant 0 : i32
    %c0_i32_0 = arith.constant 0 : i32
    %c0_i32_1 = arith.constant 0 : i32
    return %c0_i32, %c0_i32_0 : i32, i32
  }
  func.func @transform_4(%arg0: i32) -> (i32, i32) {
    %c0_i32 = arith.constant 0 : i32
    %c0_i32_0 = arith.constant 0 : i32
    %c0_i32_1 = arith.constant 0 : i32
    return %c0_i32, %c0_i32_0 : i32, i32
  }
}

</mosaic_0001>

<sc_bundles>
// kernel: kernel.6.cloned.1.call-start
scs
__scs_entry_jumppad:
0x0: {  	(pc) =	sbr.rel $0x88, $3  }
0x1: {  	(tag) =	ssettag $0x0;
	lr =	simm.s32 $0x1  }
0x2: {  	[smem:$0x3F99] =	sst lr;
	_ =	strace $0xD0000000  }
0x3: {  	_ = 	snop  }
0x4: {  	_ = 	snop  }
0x5: {  	_ = 	snop  }
0x6: {  	_ = 	snop  }
0x7: {  	_ = 	snop  }
__scs_overlays_trampoline_lowered:
0x8: {  	[smem:$0x3FA8] =	sst s0  }
0x9: {  	[smem:$0x3FA9] =	sst s1  }
0xa: {  	[smem:$0x3FAA] =	sst s2  }
0xb: {  	[smem:$0x3FAB] =	sst s3  }
0xc: {  	[smem:$0x3FAC] =	sst s4  }
0xd: {  	[smem:$0x3FAD] =	sst s5  }
0xe: {  	[smem:$0x3FAE] =	sst s6  }
0xf: {  	[smem:$0x3FAF] =	sst s7  }
0x10: {  	[smem:$0x3FB0] =	sst s8  }
0x11: {  	[smem:$0x3FB1] =	sst s9;
	s0 =	simm.s32 @!p0 $0x0  }
0x12: {  	s1 =	sld [smem:$0x3F97];
	s0 =	simm.s32 @p0 $0x1  }
0x13: {  	[smem:$0x3FB2] =	sst s0;
	s0 =	simm.s32 @!p1 $0x0  }
0x14: {  	s2 =	sld [smem:$0x3F96];
	s0 =	simm.s32 @p1 $0x1  }
0x15: {  	[smem:$0x3FB3] =	sst s0;
	s0 =	simm.s32 @!p2 $0x0  }
0x16: {  	s3 =	sld [smem:$0x3FDB];
	s0 =	simm.s32 @p2 $0x1  }
0x17: {  	s4 =	simm.s32 $0x1BF5;
	[smem:$0x3FB5] =	sst s0  }
0x18: {  	s0 =	sld [smem:$0x3F98];
	_ =	swait.ge [sflag:s4], $0x0  }
0x19: {  	s7 =	sld [smem:$0x3F99]  }
0x1a: {  	s8 =	sadd.s32 $0xFFFFE003, lr  }
0x1b: {  	s9 =	sadd.s32 $0xFFFFFEF7, lr;
	s5 =	simm.s32 $0xFFFFFFFF;
	p2 =	slt.u32 s8, $0xFFFFF086  }
0x1c: {  	p1 =	slt.u32 s9, $0xF7A;
	s5 =	simm.s32 @!p2 $0x0  }
0x1d: {  	s5 =	simm.s32 @p1 $0x1;
	p0 =	seq.s32 s7, s2  }
0x1e: {  	s7 =	smul.u32 @!p0 $0xF7A, s2;
	p2 =	seq.s32 @!p0 s5, $0x0  }
0x1f: {  	s9 =	smul.u32 $0xF7A, s1;
	s8 =	simm.s32 @!p0 $0x1BF5;
	p2 =	por !p2, p0  }
0x20: {  	[sflag:s8] =	ssyncset.s32 @!p0 $0xFFFFF086;
	s6 =	sadd.s32 @!p0 s3, s7;
	s7 =	simm.s32 @!p0 $0x108  }
0x21: {  	s3 =	sadd.s32 s3, s9;
	s6 =	sadd.s32 @!p0 $0x88, s6;
	s7 =	simm.s32 @p2 $0x1082  }
0x22: {  	[simem:s7], [sflag:s8] =	dma.local @!p0 [hbm:s6], $0xF7A  }
0x23: {  	s9 =	sor.u32 $0xD0000000, s2;
	s6 =	simm.s32 $0x108;
	_ =	swait.ge @!p0 [sflag:s8], $0x0  }
0x24: {  	s3 =	sadd.s32 $0x88, s3;
	s6 =	simm.s32 @!p1 $0x1082;
	[sflag:s4] =	ssyncset.s32 $0xFFFFF086  }
0x25: {  	[simem:s6], [sflag:s4] =	dma.local [hbm:s3], $0xF7A  }
0x26: {  	[smem:$0x3F99] =	sst s1;
	(tag) =	ssettag s2;
	_ =	strace s9  }
0x27: {  	s1 =	sld [smem:$0x3FA9]  }
0x28: {  	s2 =	sld [smem:$0x3FAA]  }
0x29: {  	s4 =	sld [smem:$0x3FAC]  }
0x2a: {  	p0 =	seq.s32 s5, $0x0;
	s5 =	sld [smem:$0x3FAD]  }
0x2b: {  	s6 =	sld [smem:$0x3FAE]  }
0x2c: {  	s7 =	sld [smem:$0x3FAF]  }
0x2d: {  	s3 =	simm.s32 $0x108;
	s8 =	sld [smem:$0x3FB0]  }
0x2e: {  	s3 =	simm.s32 @!p0 $0x1082;
	s9 =	sld [smem:$0x3FB1]  }
0x2f: {  	lr =	sadd.s32 s0, s3;
	s0 =	sld [smem:$0x3FA8]  }
0x30: {  	s3 =	sld [smem:$0x3FAB]  }
0x31: {  	[smem:$0x3FB4] =	sst s10  }
0x32: {  	s10 =	sld [smem:$0x3FB2];
	_ =	sdelay $0x3  }
0x33: {  	p0 =	seq.s32 s10, $0x1;
	s10 =	sld [smem:$0x3FB4];
	_ =	sdelay $0x3  }
0x34: {  	[smem:$0x3FB4] =	sst s10  }
0x35: {  	s10 =	sld [smem:$0x3FB3];
	_ =	sdelay $0x3  }
0x36: {  	p1 =	seq.s32 s10, $0x1;
	s10 =	sld [smem:$0x3FB4];
	_ =	sdelay $0x3  }
0x37: {  	[smem:$0x3FB4] =	sst s10  }
0x38: {  	s10 =	sld [smem:$0x3FB5]  }
0x39: {  	_ = 	snop;
	(pc) =	sbr.ind lr, $3  }
0x3a: {  	_ = 	snop  }
0x3b: {  	_ = 	snop  }
0x3c: {  	p2 =	seq.s32 s10, $0x1;
	s10 =	sld [smem:$0x3FB4]  }
0x3d: {  	_ =	shalt  }
0x3e: {  	_ =	shalt  }
0x3f: {  	_ =	shalt  }
0x40: {  	_ =	shalt  }
0x41: {  	_ =	shalt  }
0x42: {  	_ =	shalt  }
0x43: {  	_ =	shalt  }
0x44: {  	_ =	shalt  }
0x45: {  	_ =	shalt  }
0x46: {  	_ =	shalt  }
0x47: {  	_ =	shalt  }
0x48: {  	_ =	shalt  }
0x49: {  	_ =	shalt  }
0x4a: {  	_ =	shalt  }
0x4b: {  	_ =	shalt  }
0x4c: {  	_ =	shalt  }
0x4d: {  	_ =	shalt  }
0x4e: {  	_ =	shalt  }
0x4f: {  	_ =	shalt  }
0x50: {  	_ =	shalt  }
0x51: {  	_ =	shalt  }
0x52: {  	_ =	shalt  }
0x53: {  	_ =	shalt  }
0x54: {  	_ =	shalt  }
0x55: {  	_ =	shalt  }
0x56: {  	_ =	shalt  }
0x57: {  	_ =	shalt  }
0x58: {  	_ =	shalt  }
0x59: {  	_ =	shalt  }
0x5a: {  	_ =	shalt  }
0x5b: {  	_ =	shalt  }
0x5c: {  	_ =	shalt  }
0x5d: {  	_ =	shalt  }
0x5e: {  	_ =	shalt  }
0x5f: {  	_ =	shalt  }
0x60: {  	_ =	shalt  }
0x61: {  	_ =	shalt  }
0x62: {  	_ =	shalt  }
0x63: {  	_ =	shalt  }
0x64: {  	_ =	shalt  }
0x65: {  	_ =	shalt  }
0x66: {  	_ =	shalt  }
0x67: {  	_ =	shalt  }
0x68: {  	_ =	shalt  }
0x69: {  	_ =	shalt  }
0x6a: {  	_ =	shalt  }
0x6b: {  	_ =	shalt  }
0x6c: {  	_ =	shalt  }
0x6d: {  	_ =	shalt  }
0x6e: {  	_ =	shalt  }
0x6f: {  	_ =	shalt  }
0x70: {  	_ =	shalt  }
0x71: {  	_ =	shalt  }
0x72: {  	_ =	shalt  }
0x73: {  	_ =	shalt  }
0x74: {  	_ =	shalt  }
0x75: {  	_ =	shalt  }
0x76: {  	_ =	shalt  }
0x77: {  	_ =	shalt  }
0x78: {  	_ =	shalt  }
0x79: {  	_ =	shalt  }
0x7a: {  	_ =	shalt  }
0x7b: {  	_ =	shalt  }
0x7c: {  	_ =	shalt  }
0x7d: {  	_ =	shalt  }
0x7e: {  	_ =	shalt  }
0x7f: {  	_ =	shalt  }
0x80: {  	_ =	shalt  }
0x81: {  	_ =	shalt  }
0x82: {  	_ =	shalt  }
0x83: {  	_ =	shalt  }
0x84: {  	_ =	shalt  }
0x85: {  	_ =	shalt  }
0x86: {  	_ =	shalt  }
0x87: {  	_ =	shalt  }
.Lfunc_end0:
.L_simem_size_0:
called_computation_lowered:
.L_overlay_start_0:
0x88: {  	s2 =	sld [smem:$0x3FD9]  }
0x89: {  	s3 =	sld [smem:$0x3FFE];
	_ =	sdelay $0x1  }
0x8a: {  	s1 =	srdreg.scid  }
0x8b: {  	s0 =	sand.u32 $0x1, s1  }
0x8c: {  	s16 =	sshll.u32 s0, $0xA;
	s2 =	sadd.s32 s3, s2  }
0x8d: {  	s2 =	sadd.s32 s2, s16  }
0x8e: {  	[smem:$0x3FC0] =	sst s2  }
0x8f: {  	_ = 	snop  }
0x90: {  	(tm) =	ssettm $0x1  }
0x91: {  	s17 =	sld [smem:$0x3FFB];
	_ =	sdelay $0x3  }
0x92: {  	_ =	strace s17  }
0x93: {  	s2 =	sld [smem:$0x3FFC];
	_ =	sdelay $0x3  }
0x94: {  	_ =	strace s2  }
0x95: {  	s2 =	sld [smem:$0x3FFD];
	_ =	sdelay $0x3  }
0x96: {  	_ =	strace s2  }
0x97: {  	_ =	strace $0x8FFFFFFF  }
0x98: {  	s18 =	sld [smem:$0x3FDB];
	_ =	sdelay $0x1  }
0x99: {  	s19 =	simm.s32 $_scs_section_size  }
0x9a: {  	s4 =	simm.s32 $_size__tile_overlayer_lowered;
	s5 =	simm.s32 $_tile_overlayer_lowered  }
0x9b: {  	s22 =	simm.s32 $0x1BFF;
	s21 =	sshll.u32 s5, $0x1;
	s2 =	sadd.s32 s19, s18  }
0x9c: {  	s6 =	simm.s32 $0x0;
	s20 =	sshll.u32 s4, $0x1;
	s4 =	sadd.s32 s21, s2  }
0x9d: {  	[timem:s6], [sflag:s22] =	dma.local [hbm:s4], s20  }
0x9e: {  	_ =	swait.ge [sflag:s22], s20  }
0x9f: {  	s3 =	ssub.s32 $0x0, s20;
	[sflag:s22] =	ssyncset.done $0x0  }
0xa0: {  	[sflag:s22] =	ssyncadd.s32 s3;
	_ =	sdelay $0x1  }
0xa1: {  	s23 =	simm.s32 $0x1B8B  }
0xa2: {  	_ =	swait.ge [sflag:s23], $0x1  }
0xa3: {  	[sflag:s23] =	ssyncset.done $0x0  }
0xa4: {  	s25 =	simm.s32 $0x1B8E;
	s24 =	sld [smem:$0x3FFE];
	[sflag:s23] =	ssyncadd.s32 $0xFFFFFFFF  }
0xa5: {  	s26 =	simm.s32 $execute0_lowered;
	[smem:$0x3FD2] =	sst s25  }
0xa6: {  	s4 =	sshll.u32 s26, $0x1;
	_ =	strace $0x80000046;
	[dreg:$0x1] =	wrdreg $0xFFFFFFFF  }
0xa7: {  	s28 =	simm.s32 $_size_execute0_lowered;
	s2 =	sadd.s32 s2, s4;
	[dreg:$0x0] =	wrdreg $0x0  }
0xa8: {  	s4 =	sshll.u32 s28, $0x1;
	[dreg:$0x2] =	wrdreg s2  }
0xa9: {  	[dreg:$0x3] =	wrdreg s4  }
0xaa: {  	[dreg:$0x4] =	wrdreg $0xC0  }
0xab: {  	_ =	task [dreg:s6], $0x5FFFF  }
0xac: {  	[dreg:$0x1] =	wrdreg $0xFFFFFFFF  }
0xad: {  	[dreg:$0x0] =	wrdreg $0x60  }
0xae: {  	[dreg:$0x2] =	wrdreg s24  }
0xaf: {  	[dreg:$0x3] =	wrdreg $0x9  }
0xb0: {  	_ =	task.clear_ibuf [dreg:s6], $0x4FFFF;
	_ =	strace $0x90000046  }
0xb1: {  	s29 =	simm.s32 $0x9;
	_ =	strace $0x80000048  }
0xb2: {  	_ =	swait.ge [sflag:s29], $0x1  }
0xb3: {  	[sflag:s29] =	ssyncadd.s32 $0xFFFFFFFF  }
0xb4: {  	_ =	strace $0x90000048  }
0xb5: {  	_ =	sfence  }
0xb6: {  	s30 =	sld [smem:$0x0];
	_ =	sdelay $0x2  }
0xb7: {  	s31 =	sshll.u32 s1, $0xD;
	s1 =	sshrl.u32 s1, $0x2  }
0xb8: {  	s3 =	sand.u32 $0x4000, s31;
	s1 =	sadd.s32 s1, s30  }
0xb9: {  	s0 =	sor.u32 s3, s0;
	s1 =	sshll.u32 s1, $0x11  }
0xba: {  	s0 =	sor.u32 s1, s0  }
0xbb: {  	s0 =	sadd.s32 $0x8F2B, s0  }
0xbc: {  	[sflag:s0] =	ssyncadd.remote.s32 $0x1  }
0xbd: {  	_ =	sfence.sel $0xFFFF  }
0xbe: {  	[dreg:$0x0] =	wrdreg $0xFFFFFFFF;
	(pc) =	sbr.abs _section_cstart, $3  }
0xbf: {  	[dreg:$0x1] =	wrdreg $0xFFFFFFFF  }
0xc0: {  	_ =	task.clear_ibuf [dreg:s6], $0x2FFFF;
	_ =	strace $0x9FFFFFFF  }
0xc1: {  	(tm) =	ssettm $0x7FFFFFFF  }
tec
execute0_lowered:
.L_overlay_start_1:
0x0: {  	(tag) =	ssettag $0x1  }
0x1: {  	s1 =	srdreg.scid  }
0x2: {  	s0 =	stileid.u32;
	s20 =	sand.u32 $0x1, s1  }
0x3: {  	s31 =	sshll.u32 s0, $0x9;
	s2 =	sshll.u32 s20, $0x8  }
0x4: {  	s19 =	rddreg [dreg:$0x0];
	s21 =	sor.u32 s2, s31  }
0x5: {  	s1 =	rddreg [dreg:$0x1];
	s2 =	simm.s32 $0x0;
	s3 =	sshrl.u32 s21, $0x3  }
0x6: {  	[smem:$0x7FF] =	sst s2;
	s5 =	sadd.s32 s3, s19  }
0x7: {  	_ =	strace $0x80000047;
	s3 =	simm.s32 $0x4;
	s4 =	sadd.s32 $0x495E00, s5  }
0x8: {  	[tilespmem:s2], [sflag:$0x4] =	stream.linear.gather [hbm4b:s4+s2], $0x80, $0x38;
	[tilespmem:$0x18100] =	vst v63  }
0x9: {  	_ =	swait.ge [sflag:s3], $0x80  }
0xa: {  	[sflag:s3] =	ssyncset.done $0x0  }
0xb: {  	s6 =	simm.s32 $0x80;
	s5 =	sadd.s32 $0x495E10, s5;
	[sflag:s3] =	ssyncadd.s32 $0xFFFFFF80  }
0xc: {  	[tilespmem:s6], [sflag:$0x4] =	stream.linear.gather [hbm4b:s5+s2], $0x80, $0x38;
	[tilespmem:$0x18100] =	vst v63  }
0xd: {  	_ =	swait.ge [sflag:s3], $0x80  }
0xe: {  	[sflag:s3] =	ssyncset.done $0x0  }
0xf: {  	s8 =	simm.s32 $0x100;
	s7 =	sadd.s32 $0x2000, s19;
	[sflag:s3] =	ssyncadd.s32 $0xFFFFFF80  }
0x10: {  	[tilespmem:s8], [sflag:$0x1] =	stream.indirect.gather [hbm4b:s7+s6], $0x80, s2, s6, $0xb8;
	[tilespmem:$0x18100] =	vst v63  }
0x11: {  	s10 =	simm.s32 $0x8100;
	s9 =	sadd.s32 $0x188A00, s19  }
0x12: {  	[tilespmem:s10], [sflag:$0x2] =	stream.indirect.gather [hbm4b:s9+s6], $0x80, s2, s6, $0xb8;
	[tilespmem:$0x18100] =	vst v63  }
0x13: {  	s12 =	simm.s32 $0x10100;
	s11 =	sadd.s32 $0x30F400, s19  }
0x14: {  	[tilespmem:s12], [sflag:$0x3] =	stream.indirect.gather [hbm4b:s11+s6], $0x80, s2, s6, $0xb8;
	[tilespmem:$0x18100] =	vst v63  }
0x15: {  	s13 =	simm.s32 $0x4100  }
0x16: {  	[tilespmem:s13], [sflag:$0x1] =	stream.indirect.gather [hbm4b:s7+s6], $0x80, s6, s6, $0xb8;
	[tilespmem:$0x18100] =	vst v63  }
0x17: {  	s14 =	simm.s32 $0xC100  }
0x18: {  	[tilespmem:s14], [sflag:$0x2] =	stream.indirect.gather [hbm4b:s9+s6], $0x80, s6, s6, $0xb8;
	[tilespmem:$0x18100] =	vst v63  }
0x19: {  	s15 =	simm.s32 $0x14100;
	s16 =	simm.s32 $0x1  }
0x1a: {  	[tilespmem:s15], [sflag:$0x3] =	stream.indirect.gather [hbm4b:s11+s6], $0x80, s6, s6, $0xb8;
	[tilespmem:$0x18100] =	vst v63  }
0x1b: {  	_ =	swait.ge [sflag:s16], $0x4000  }
0x1c: {  	[sflag:s16] =	ssyncset.done $0x0  }
0x1d: {  	s17 =	simm.s32 $0x2;
	[sflag:s16] =	ssyncadd.s32 $0xFFFFC000  }
0x1e: {  	_ =	swait.ge [sflag:s17], $0x4000  }
0x1f: {  	[sflag:s17] =	ssyncset.done $0x0  }
0x20: {  	s18 =	simm.s32 $0x3;
	[sflag:s17] =	ssyncadd.s32 $0xFFFFC000  }
0x21: {  	_ =	swait.ge [sflag:s18], $0x4000  }
0x22: {  	[sflag:s18] =	ssyncset.done $0x0  }
0x23: {  	[sflag:s18] =	ssyncadd.s32 $0xFFFFC000  }
0x24: {  	_ =	swait.ge [sflag:s16], $0x4000  }
0x25: {  	[sflag:s16] =	ssyncset.done $0x0  }
0x26: {  	[sflag:s16] =	ssyncadd.s32 $0xFFFFC000  }
0x27: {  	_ =	swait.ge [sflag:s17], $0x4000  }
0x28: {  	[sflag:s17] =	ssyncset.done $0x0  }
0x29: {  	[sflag:s17] =	ssyncadd.s32 $0xFFFFC000  }
0x2a: {  	s21 =	sshll.u32 s21, $0x4;
	_ =	swait.ge [sflag:s18], $0x4000  }
0x2b: {  	s21 =	sadd.s32 s21, s19;
	[sflag:s18] =	ssyncset.done $0x0  }
0x2c: {  	s22 =	ssub.s32 $0x2, s20;
	s19 =	sadd.s32 $0x496200, s21;
	[sflag:s18] =	ssyncadd.s32 $0xFFFFC000  }
0x2d: {  	[hbm4b:s19+s2] =	stream.linear.scatter [tilespmem:s8], [sflag:$0x4], $0x8000, $0x38;
	[tilespmem:$0x18100] =	vst v63  }
0x2e: {  	s23 =	sshrl.u32 s22, $0x1;
	_ =	swait.ge [sflag:s3], $0x8000  }
0x2f: {  	s22 =	ssub.s32 s22, s23;
	[sflag:s3] =	ssyncset.done $0x0  }
0x30: {  	s22 =	smax.u32 s22, $0x1;
	s20 =	sadd.s32 $0x4B6200, s21;
	[sflag:s3] =	ssyncadd.s32 $0xFFFF8000  }
0x31: {  	[hbm4b:s20+s2] =	stream.linear.scatter [tilespmem:s10], [sflag:$0x4], $0x8000, $0x38;
	[tilespmem:$0x18100] =	vst v63  }
0x32: {  	p0 =	sne.s32 s22, $0x1;
	_ =	swait.ge [sflag:s3], $0x8000  }
.Ltmp0:
0x33: {  	[sflag:s3] =	ssyncset.done $0x0;
	(pc) =	sbr.rel @!p0 .LBB2_2-.Ltmp0, $4  }
0x34: {  	s21 =	sadd.s32 $0x4D6200, s21;
	[sflag:s3] =	ssyncadd.s32 $0xFFFF8000  }
0x35: {  	[hbm4b:s21+s2] =	stream.linear.scatter [tilespmem:s12], [sflag:$0x4], $0x8000, $0x38;
	[tilespmem:$0x18100] =	vst v63  }
0x36: {  	_ =	swait.ge [sflag:s3], $0x8000  }
0x37: {  	s22 =	sadd.s32 $0xFFFFFFFF, s22;
	[sflag:s3] =	ssyncset.done $0x0  }
.LBB2_1:
0x38: {  	p0 =	sne.s32 s22, $0x1;
	s22 =	sadd.s32 $0xFFFFFFFF, s22;
	[sflag:s3] =	ssyncadd.s32 $0xFFFF8000  }
0x39: {  	[tilespmem:s2], [sflag:$0x4] =	stream.linear.gather [hbm4b:s4+s2], $0x80, $0x38;
	[tilespmem:$0x18100] =	vst v63  }
0x3a: {  	_ =	swait.ge [sflag:s3], $0x80  }
0x3b: {  	[sflag:s3] =	ssyncset.done $0x0  }
0x3c: {  	[sflag:s3] =	ssyncadd.s32 $0xFFFFFF80  }
0x3d: {  	[tilespmem:s6], [sflag:$0x4] =	stream.linear.gather [hbm4b:s5+s2], $0x80, $0x38;
	[tilespmem:$0x18100] =	vst v63  }
0x3e: {  	_ =	swait.ge [sflag:s3], $0x80  }
0x3f: {  	[sflag:s3] =	ssyncset.done $0x0  }
0x40: {  	[sflag:s3] =	ssyncadd.s32 $0xFFFFFF80  }
0x41: {  	[tilespmem:s8], [sflag:$0x1] =	stream.indirect.gather [hbm4b:s7+s6], $0x80, s2, s6, $0xb8;
	[tilespmem:$0x18100] =	vst v63  }
0x42: {  	_ = 	snop  }
0x43: {  	[tilespmem:s10], [sflag:$0x2] =	stream.indirect.gather [hbm4b:s9+s6], $0x80, s2, s6, $0xb8;
	[tilespmem:$0x18100] =	vst v63  }
0x44: {  	_ = 	snop  }
0x45: {  	[tilespmem:s12], [sflag:$0x3] =	stream.indirect.gather [hbm4b:s11+s6], $0x80, s2, s6, $0xb8;
	[tilespmem:$0x18100] =	vst v63  }
0x46: {  	_ = 	snop  }
0x47: {  	[tilespmem:s13], [sflag:$0x1] =	stream.indirect.gather [hbm4b:s7+s6], $0x80, s6, s6, $0xb8;
	[tilespmem:$0x18100] =	vst v63  }
0x48: {  	_ = 	snop  }
0x49: {  	[tilespmem:s14], [sflag:$0x2] =	stream.indirect.gather [hbm4b:s9+s6], $0x80, s6, s6, $0xb8;
	[tilespmem:$0x18100] =	vst v63  }
0x4a: {  	_ = 	snop  }
0x4b: {  	[tilespmem:s15], [sflag:$0x3] =	stream.indirect.gather [hbm4b:s11+s6], $0x80, s6, s6, $0xb8;
	[tilespmem:$0x18100] =	vst v63  }
0x4c: {  	_ =	swait.ge [sflag:s16], $0x4000  }
0x4d: {  	[sflag:s16] =	ssyncset.done $0x0  }
0x4e: {  	[sflag:s16] =	ssyncadd.s32 $0xFFFFC000  }
0x4f: {  	_ =	swait.ge [sflag:s17], $0x4000  }
0x50: {  	[sflag:s17] =	ssyncset.done $0x0  }
0x51: {  	[sflag:s17] =	ssyncadd.s32 $0xFFFFC000  }
0x52: {  	_ =	swait.ge [sflag:s18], $0x4000  }
0x53: {  	[sflag:s18] =	ssyncset.done $0x0  }
0x54: {  	[sflag:s18] =	ssyncadd.s32 $0xFFFFC000  }
0x55: {  	_ =	swait.ge [sflag:s16], $0x4000  }
0x56: {  	[sflag:s16] =	ssyncset.done $0x0  }
0x57: {  	[sflag:s16] =	ssyncadd.s32 $0xFFFFC000  }
0x58: {  	_ =	swait.ge [sflag:s17], $0x4000  }
0x59: {  	[sflag:s17] =	ssyncset.done $0x0  }
0x5a: {  	[sflag:s17] =	ssyncadd.s32 $0xFFFFC000  }
0x5b: {  	_ =	swait.ge [sflag:s18], $0x4000  }
0x5c: {  	[sflag:s18] =	ssyncset.done $0x0  }
0x5d: {  	[sflag:s18] =	ssyncadd.s32 $0xFFFFC000  }
0x5e: {  	[hbm4b:s19+s2] =	stream.linear.scatter [tilespmem:s8], [sflag:$0x4], $0x8000, $0x38;
	[tilespmem:$0x18100] =	vst v63  }
0x5f: {  	_ =	swait.ge [sflag:s3], $0x8000  }
0x60: {  	[sflag:s3] =	ssyncset.done $0x0  }
0x61: {  	[sflag:s3] =	ssyncadd.s32 $0xFFFF8000  }
0x62: {  	[hbm4b:s20+s2] =	stream.linear.scatter [tilespmem:s10], [sflag:$0x4], $0x8000, $0x38;
	[tilespmem:$0x18100] =	vst v63  }
0x63: {  	_ =	swait.ge [sflag:s3], $0x8000  }
.Ltmp1:
0x64: {  	[sflag:s3] =	ssyncset.done $0x0;
	(pc) =	sbr.rel @p0 .LBB2_1-.Ltmp1, $4  }
0x65: {  	[sflag:s3] =	ssyncadd.s32 $0xFFFF8000  }
0x66: {  	[hbm4b:s21+s2] =	stream.linear.scatter [tilespmem:s12], [sflag:$0x4], $0x8000, $0x38;
	[tilespmem:$0x18100] =	vst v63  }
0x67: {  	_ =	swait.ge [sflag:s3], $0x8000  }
0x68: {  	[sflag:s3] =	ssyncset.done $0x0  }
.LBB2_2:
0x69: {  	[sflag:s3] =	ssyncadd.s32 $0xFFFF8000  }
0x6a: {  	_ =	sfence.sel $0x180000  }
0x6b: {  	[bflag:$0x0] =	sbarrier.arrive $0xFFFF  }
0x6c: {  	p0 =	sne.s32 s0, $0x0;
	_ =	strace $0x90000047  }
0x6d: {  	s0 =	sadd.s32 @!p0 $0x100000, s1;
	[bflag:$0x2] =	sbarrier.arrive $0xFFFF  }
0x6e: {  	[sflag:s0] =	ssyncadd.tile.s32 @!p0 $0x1;
	_ =	shalt  }
.Lfunc_end2:
_tile_overlayer_lowered:
.L_overlay_start_2:
0x6f: {  	(tag) =	ssettag $0x2  }
0x70: {  	s0 =	rddreg [dreg:$0x0];
	s2 =	stileid.u32  }
0x71: {  	s1 =	rddreg [dreg:$0x1];
	p0 =	sne.s32 s2, $0x0  }
0x72: {  	s3 =	rddreg [dreg:$0x2];
	[bflag:$0x3] =	sbarrier.arrive $0xFFFF;
	s2 =	simm.s32 @!p0 $0x1C04  }
0x73: {  	[timem:s3], [sflag:s2] =	dma.local @!p0 [hbm:s0], s1  }
0x74: {  	s0 =	simm.s32 @!p0 $0x4  }
0x75: {  	_ =	swait.ge @!p0 [sflag:s0], s1  }
0x76: {  	s1 =	ssub.s32 @!p0 $0x0, s1;
	[sflag:s0] =	ssyncset.done @!p0 $0x0  }
0x77: {  	[sflag:s0] =	ssyncadd.s32 @!p0 s1  }
0x78: {  	[bflag:$0x3] =	sbarrier.arrive $0xFFFF  }
0x79: {  	_ =	shalt  }

</sc_bundles>
